<compile_context>
chip_gen: v7x
topology: tpu7x:2x2x1
jax: 0.10.2.dev20260603
libtpu: 0.0.44.dev20260713+nightly
codegen_flags: <defaults>
</compile_context>

<pallas_src>
import functools

import jax
import jax.numpy as jnp
import numpy as np
from jax import lax
from jax.experimental import pallas as pl
from jax.experimental.pallas import tpu as pltpu
from jax.experimental.pallas import tpu_sc as plsc


def _positional_encoding_np(seq_length, embedding_dim):
    position = np.arange(seq_length, dtype=np.float32)[:, None]
    div = 10000.0 ** (
        np.arange(0, embedding_dim, 2, dtype=np.float32) / embedding_dim
    )
    pe = np.zeros((seq_length, embedding_dim), dtype=np.float32)
    pe[:, 0::2] = np.sin(position / div)
    pe[:, 1::2] = np.cos(position / div)
    return pe


def _num_subcores():
    try:
        info = plsc.get_sparse_core_info()
        return info.num_cores, info.num_subcores
    except Exception:
        return 2, 16


def kernel(x, table):
    B, S = x.shape
    V, D = table.shape
    NC, NS = _num_subcores()
    NW = NC * NS
    assert B % NW == 0, (B, NW)
    rows_per_w = B // NW

    CK = S
    if CK > 128:
        for cand in range(128, 0, -1):
            if S % cand == 0:
                CK = cand
                break
    NCK = S // CK

    lanes = 16
    assert D % lanes == 0

    P = 4
    assert rows_per_w % P == 0 and rows_per_w >= 2 * P

    pe = jnp.asarray(_positional_encoding_np(S, D))
    x2 = x.astype(jnp.int32).reshape(B * NCK, CK)

    mesh = plsc.VectorSubcoreMesh(
        core_axis_name="c", subcore_axis_name="s", num_cores=NC, num_subcores=NS
    )

    @functools.partial(
        pl.kernel,
        out_type=jax.ShapeDtypeStruct((B, S, D), jnp.float32),
        mesh=mesh,
        compiler_params=pltpu.CompilerParams(use_tc_tiling_on_sc=False),
        scratch_types=[
            pltpu.VMEM((rows_per_w * NCK, CK), jnp.int32),
            pltpu.VMEM((S, D), jnp.float32),
        ]
        + [pltpu.VMEM((S, D), jnp.float32) for _ in range(P)]
        + [pltpu.SemaphoreType.DMA for _ in range(2 * P)],
    )
    def _emb(x_hbm, table_hbm, pe_hbm, out_hbm, idx_v, pe_v, *rest):
        rows = rest[:P]
        gsem = rest[P : 2 * P]
        osem = rest[2 * P : 3 * P]

        wid = lax.axis_index("s") * NC + lax.axis_index("c")
        base = wid * rows_per_w
        pltpu.sync_copy(x_hbm.at[pl.ds(base * NCK, rows_per_w * NCK)], idx_v)
        pltpu.sync_copy(pe_hbm, pe_v)

        def fire_gather(r, k):
            for h in range(NCK):
                pltpu.async_copy(
                    table_hbm.at[idx_v.at[r * NCK + h]],
                    rows[k].at[pl.ds(h * CK, CK)],
                    gsem[k],
                )

        def wait_gather(k):
            for _ in range(NCK):
                pltpu.make_async_copy(
                    out_hbm.at[0, pl.ds(0, CK)],
                    rows[k].at[pl.ds(0, CK)],
                    gsem[k],
                ).wait()

        def wait_write(k):
            pltpu.make_async_copy(rows[k], out_hbm.at[0], osem[k]).wait()

        for k in range(P):
            fire_gather(k, k)

        @pl.loop(0, rows_per_w // P)
        def _blk(gb):
            for k in range(P):
                g = gb * P + k
                kprev = (k - 1) % P

                @pl.when(jnp.logical_and(g >= 1, g <= rows_per_w - P))
                def _():
                    wait_write(kprev)
                    fire_gather(g + P - 1, kprev)

                wait_gather(k)

                @pl.loop(0, S)
                def _s(s):
                    for d in range(D // lanes):
                        v = pe_v[s, pl.ds(d * lanes, lanes)]
                        plsc.addupdate(rows[k].at[s, pl.ds(d * lanes, lanes)], v)

                pltpu.async_copy(rows[k], out_hbm.at[base + g], osem[k])

        for k in range(P):
            wait_write(k)

    return _emb(x2, table, pe)

# --- scband reference (transcript-rebuilt; emitter-appended) ---
"""Pipeline reference for scband-positional-embedding-55070070669546 (READ-ONLY COPY).

The authoritative reference and input builder live on the scoring server;
editing this copy changes nothing except your own understanding.
"""

import jax, jax.numpy as jnp
import numpy as np

NUM_EMBEDDINGS = 1000000
EMBEDDING_DIM = 64
BATCH = 4096
SEQ_LEN = 200


def _positional_encoding(seq_length, embedding_dim):
    position = jnp.arange(seq_length, dtype=jnp.float32)[:, None]
    div = 10000.0 ** (jnp.arange(0, embedding_dim, 2, dtype=jnp.float32) / embedding_dim)
    pe = jnp.zeros((seq_length, embedding_dim), dtype=jnp.float32)
    pe = pe.at[:, 0::2].set(jnp.sin(position / div))
    pe = pe.at[:, 1::2].set(jnp.cos(position / div))
    return pe


def setup_inputs(seed: int = 0) -> dict:
    key = jax.random.key(seed)
    k_idx, k_tab = jax.random.split(key)
    x = jax.random.randint(k_idx, (BATCH, SEQ_LEN), 0, NUM_EMBEDDINGS, dtype=jnp.int64 if jax.config.jax_enable_x64 else jnp.int32)
    table = jax.random.normal(k_tab, (NUM_EMBEDDINGS, EMBEDDING_DIM), dtype=jnp.float32)
    return {"x": x, "table": table}


def reference(x, table):
    # token embedding lookup (gather)
    token_embeddings = jnp.take(table, x, axis=0)  # [B, S, D]
    seq_length = x.shape[1]
    pos_encoding = _positional_encoding(seq_length, table.shape[1])  # [S, D]
    embeddings_with_pos = token_embeddings + pos_encoding[None, :, :]
    # dropout p=0.0 -> identity
    return embeddings_with_pos

if __name__ == "__main__":
    import jax
    _d = setup_inputs()
    print(jax.jit(kernel)(*tuple(_d.values())))

</pallas_src>

<mosaic_0001>
#map = affine_map<(d0, d1) -> (0, 0)>
#map1 = affine_map<(d0, d1) -> (0, 0, 0)>
module attributes {stable_mosaic.version = 14 : i64} {
  func.func @_emb(%arg0: i32, %arg1: i32, %arg2: memref<8192x100xi32, #tpu.memory_space<hbm>>, %arg3: memref<1000000x64xf32, #tpu.memory_space<hbm>>, %arg4: memref<200x64xf32, #tpu.memory_space<hbm>>, %arg5: memref<4096x200x64xf32, #tpu.memory_space<hbm>>, %arg6: memref<256x100xi32, #tpu.memory_space<vmem>>, %arg7: memref<200x64xf32, #tpu.memory_space<vmem>>, %arg8: memref<200x64xf32, #tpu.memory_space<vmem>>, %arg9: memref<200x64xf32, #tpu.memory_space<vmem>>, %arg10: memref<200x64xf32, #tpu.memory_space<vmem>>, %arg11: memref<200x64xf32, #tpu.memory_space<vmem>>, %arg12: memref<!tpu.dma_semaphore, #tpu.memory_space<semaphore_mem>>, %arg13: memref<!tpu.dma_semaphore, #tpu.memory_space<semaphore_mem>>, %arg14: memref<!tpu.dma_semaphore, #tpu.memory_space<semaphore_mem>>, %arg15: memref<!tpu.dma_semaphore, #tpu.memory_space<semaphore_mem>>, %arg16: memref<!tpu.dma_semaphore, #tpu.memory_space<semaphore_mem>>, %arg17: memref<!tpu.dma_semaphore, #tpu.memory_space<semaphore_mem>>, %arg18: memref<!tpu.dma_semaphore, #tpu.memory_space<semaphore_mem>>, %arg19: memref<!tpu.dma_semaphore, #tpu.memory_space<semaphore_mem>>) attributes {dimension_semantics = [#tpu.dimension_semantics<core_parallel>, #tpu.dimension_semantics<subcore_parallel>], iteration_bounds = array<i64: 2, 16>, scalar_prefetch = 0 : i64, scratch_operands = 14 : i64, tpu.core_type = #tpu.core_type<sc_vector_subcore>, window_params = [{transform_indices = #map}, {transform_indices = #map}, {transform_indices = #map}, {transform_indices = #map1}]} {
    %mul3A = arith.constant 2 : i32
    %mul3A_0 = arith.muli %arg1, %mul3A : i32
    %add3A = arith.addi %mul3A_0, %arg0 : i32
    %mul3A_1 = arith.constant 128 : i32
    %mul3A_2 = arith.muli %add3A, %mul3A_1 : i32
    %mul3A_3 = arith.constant 2 : i32
    %mul3A_4 = arith.muli %mul3A_2, %mul3A_3 : i32
    "tpu.region"() ({
      %run_scoped3A = tpu.sem_alloc : memref<!tpu.dma_semaphore, #tpu.memory_space<semaphore_mem>>
      %dma_start3A_123 = arith.constant 0 : i32
      %dma_start3A_124 = tpu.memref_slice %arg2[%mul3A_4, %dma_start3A_123] : memref<8192x100xi32, #tpu.memory_space<hbm>> -> memref<256x100xi32, #tpu.memory_space<hbm>>
      %dma_start3A_125 = arith.constant 0 : i32
      %dma_start3A_126 = tpu.memref_slice %arg2[%mul3A_4, %dma_start3A_125] : memref<8192x100xi32, #tpu.memory_space<hbm>> -> memref<256x100xi32, #tpu.memory_space<hbm>>
      tpu.enqueue_dma source(%dma_start3A_126 : memref<256x100xi32, #tpu.memory_space<hbm>>) target(%arg6 : memref<256x100xi32, #tpu.memory_space<vmem>>) target_semaphore(%run_scoped3A : memref<!tpu.dma_semaphore, #tpu.memory_space<semaphore_mem>>)
      %dma_wait3A_127 = arith.constant 0 : i32
      %dma_wait3A_128 = tpu.memref_slice %arg2[%mul3A_4, %dma_wait3A_127] : memref<8192x100xi32, #tpu.memory_space<hbm>> -> memref<256x100xi32, #tpu.memory_space<hbm>>
      %dma_wait3A_129 = arith.constant 0 : i32
      %dma_wait3A_130 = tpu.memref_slice %arg2[%mul3A_4, %dma_wait3A_129] : memref<8192x100xi32, #tpu.memory_space<hbm>> -> memref<256x100xi32, #tpu.memory_space<hbm>>
      tpu.wait_dma2 semaphore(%run_scoped3A : memref<!tpu.dma_semaphore, #tpu.memory_space<semaphore_mem>>) src(%dma_wait3A_130 : memref<256x100xi32, #tpu.memory_space<hbm>>) dst(%arg6 : memref<256x100xi32, #tpu.memory_space<vmem>>)
      tpu.yield
    }) : () -> ()
    "tpu.region"() ({
      %run_scoped3A = tpu.sem_alloc : memref<!tpu.dma_semaphore, #tpu.memory_space<semaphore_mem>>
      tpu.enqueue_dma source(%arg4 : memref<200x64xf32, #tpu.memory_space<hbm>>) target(%arg7 : memref<200x64xf32, #tpu.memory_space<vmem>>) target_semaphore(%run_scoped3A : memref<!tpu.dma_semaphore, #tpu.memory_space<semaphore_mem>>)
      tpu.wait_dma2 semaphore(%run_scoped3A : memref<!tpu.dma_semaphore, #tpu.memory_space<semaphore_mem>>) src(%arg4 : memref<200x64xf32, #tpu.memory_space<hbm>>) dst(%arg7 : memref<200x64xf32, #tpu.memory_space<vmem>>)
      tpu.yield
    }) : () -> ()
    %dma_start3A = arith.constant 0 : i32
    %dma_start3A_5 = arith.constant 0 : i32
    %dma_start3A_6 = arith.constant 0 : i32
    %dma_start3A_7 = tpu.memref_slice %arg8[%dma_start3A_5, %dma_start3A_6] : memref<200x64xf32, #tpu.memory_space<vmem>> -> memref<100x64xf32, #tpu.memory_space<vmem>>
    %dma_start3A_8 = arith.constant 0 : i32
    %dma_start3A_9 = tpu.memref_slice %arg6[%dma_start3A, %dma_start3A_8] : memref<256x100xi32, #tpu.memory_space<vmem>> -> memref<1x100xi32, #tpu.memory_space<vmem>>
    %dma_start3A_10 = tpu.memref_squeeze %dma_start3A_9 : memref<1x100xi32, #tpu.memory_space<vmem>> -> memref<100xi32, #tpu.memory_space<vmem>>
    %dma_start3A_11 = arith.constant 0 : i32
    %dma_start3A_12 = arith.constant 0 : i32
    %dma_start3A_13 = tpu.memref_slice %arg3[%dma_start3A_11, %dma_start3A_12] : memref<1000000x64xf32, #tpu.memory_space<hbm>> -> memref<1000000x64xf32, #tpu.memory_space<hbm>>
    tpu.enqueue_indirect_dma source(%dma_start3A_13 : memref<1000000x64xf32, #tpu.memory_space<hbm>>) target(%dma_start3A_7 : memref<100x64xf32, #tpu.memory_space<vmem>>) offsets(%dma_start3A_10 : memref<100xi32, #tpu.memory_space<vmem>>) semaphore(%arg12 : memref<!tpu.dma_semaphore, #tpu.memory_space<semaphore_mem>>)
    %dma_start3A_14 = arith.constant 1 : i32
    %dma_start3A_15 = arith.constant 100 : i32
    %dma_start3A_16 = arith.constant 0 : i32
    %dma_start3A_17 = tpu.memref_slice %arg8[%dma_start3A_15, %dma_start3A_16] : memref<200x64xf32, #tpu.memory_space<vmem>> -> memref<100x64xf32, #tpu.memory_space<vmem>>
    %dma_start3A_18 = arith.constant 0 : i32
    %dma_start3A_19 = tpu.memref_slice %arg6[%dma_start3A_14, %dma_start3A_18] : memref<256x100xi32, #tpu.memory_space<vmem>> -> memref<1x100xi32, #tpu.memory_space<vmem>>
    %dma_start3A_20 = tpu.memref_squeeze %dma_start3A_19 : memref<1x100xi32, #tpu.memory_space<vmem>> -> memref<100xi32, #tpu.memory_space<vmem>>
    %dma_start3A_21 = arith.constant 0 : i32
    %dma_start3A_22 = arith.constant 0 : i32
    %dma_start3A_23 = tpu.memref_slice %arg3[%dma_start3A_21, %dma_start3A_22] : memref<1000000x64xf32, #tpu.memory_space<hbm>> -> memref<1000000x64xf32, #tpu.memory_space<hbm>>
    tpu.enqueue_indirect_dma source(%dma_start3A_23 : memref<1000000x64xf32, #tpu.memory_space<hbm>>) target(%dma_start3A_17 : memref<100x64xf32, #tpu.memory_space<vmem>>) offsets(%dma_start3A_20 : memref<100xi32, #tpu.memory_space<vmem>>) semaphore(%arg12 : memref<!tpu.dma_semaphore, #tpu.memory_space<semaphore_mem>>)
    %dma_start3A_24 = arith.constant 2 : i32
    %dma_start3A_25 = arith.constant 0 : i32
    %dma_start3A_26 = arith.constant 0 : i32
    %dma_start3A_27 = tpu.memref_slice %arg9[%dma_start3A_25, %dma_start3A_26] : memref<200x64xf32, #tpu.memory_space<vmem>> -> memref<100x64xf32, #tpu.memory_space<vmem>>
    %dma_start3A_28 = arith.constant 0 : i32
    %dma_start3A_29 = tpu.memref_slice %arg6[%dma_start3A_24, %dma_start3A_28] : memref<256x100xi32, #tpu.memory_space<vmem>> -> memref<1x100xi32, #tpu.memory_space<vmem>>
    %dma_start3A_30 = tpu.memref_squeeze %dma_start3A_29 : memref<1x100xi32, #tpu.memory_space<vmem>> -> memref<100xi32, #tpu.memory_space<vmem>>
    %dma_start3A_31 = arith.constant 0 : i32
    %dma_start3A_32 = arith.constant 0 : i32
    %dma_start3A_33 = tpu.memref_slice %arg3[%dma_start3A_31, %dma_start3A_32] : memref<1000000x64xf32, #tpu.memory_space<hbm>> -> memref<1000000x64xf32, #tpu.memory_space<hbm>>
    tpu.enqueue_indirect_dma source(%dma_start3A_33 : memref<1000000x64xf32, #tpu.memory_space<hbm>>) target(%dma_start3A_27 : memref<100x64xf32, #tpu.memory_space<vmem>>) offsets(%dma_start3A_30 : memref<100xi32, #tpu.memory_space<vmem>>) semaphore(%arg13 : memref<!tpu.dma_semaphore, #tpu.memory_space<semaphore_mem>>)
    %dma_start3A_34 = arith.constant 3 : i32
    %dma_start3A_35 = arith.constant 100 : i32
    %dma_start3A_36 = arith.constant 0 : i32
    %dma_start3A_37 = tpu.memref_slice %arg9[%dma_start3A_35, %dma_start3A_36] : memref<200x64xf32, #tpu.memory_space<vmem>> -> memref<100x64xf32, #tpu.memory_space<vmem>>
    %dma_start3A_38 = arith.constant 0 : i32
    %dma_start3A_39 = tpu.memref_slice %arg6[%dma_start3A_34, %dma_start3A_38] : memref<256x100xi32, #tpu.memory_space<vmem>> -> memref<1x100xi32, #tpu.memory_space<vmem>>
    %dma_start3A_40 = tpu.memref_squeeze %dma_start3A_39 : memref<1x100xi32, #tpu.memory_space<vmem>> -> memref<100xi32, #tpu.memory_space<vmem>>
    %dma_start3A_41 = arith.constant 0 : i32
    %dma_start3A_42 = arith.constant 0 : i32
    %dma_start3A_43 = tpu.memref_slice %arg3[%dma_start3A_41, %dma_start3A_42] : memref<1000000x64xf32, #tpu.memory_space<hbm>> -> memref<1000000x64xf32, #tpu.memory_space<hbm>>
    tpu.enqueue_indirect_dma source(%dma_start3A_43 : memref<1000000x64xf32, #tpu.memory_space<hbm>>) target(%dma_start3A_37 : memref<100x64xf32, #tpu.memory_space<vmem>>) offsets(%dma_start3A_40 : memref<100xi32, #tpu.memory_space<vmem>>) semaphore(%arg13 : memref<!tpu.dma_semaphore, #tpu.memory_space<semaphore_mem>>)
    %dma_start3A_44 = arith.constant 4 : i32
    %dma_start3A_45 = arith.constant 0 : i32
    %dma_start3A_46 = arith.constant 0 : i32
    %dma_start3A_47 = tpu.memref_slice %arg10[%dma_start3A_45, %dma_start3A_46] : memref<200x64xf32, #tpu.memory_space<vmem>> -> memref<100x64xf32, #tpu.memory_space<vmem>>
    %dma_start3A_48 = arith.constant 0 : i32
    %dma_start3A_49 = tpu.memref_slice %arg6[%dma_start3A_44, %dma_start3A_48] : memref<256x100xi32, #tpu.memory_space<vmem>> -> memref<1x100xi32, #tpu.memory_space<vmem>>
    %dma_start3A_50 = tpu.memref_squeeze %dma_start3A_49 : memref<1x100xi32, #tpu.memory_space<vmem>> -> memref<100xi32, #tpu.memory_space<vmem>>
    %dma_start3A_51 = arith.constant 0 : i32
    %dma_start3A_52 = arith.constant 0 : i32
    %dma_start3A_53 = tpu.memref_slice %arg3[%dma_start3A_51, %dma_start3A_52] : memref<1000000x64xf32, #tpu.memory_space<hbm>> -> memref<1000000x64xf32, #tpu.memory_space<hbm>>
    tpu.enqueue_indirect_dma source(%dma_start3A_53 : memref<1000000x64xf32, #tpu.memory_space<hbm>>) target(%dma_start3A_47 : memref<100x64xf32, #tpu.memory_space<vmem>>) offsets(%dma_start3A_50 : memref<100xi32, #tpu.memory_space<vmem>>) semaphore(%arg14 : memref<!tpu.dma_semaphore, #tpu.memory_space<semaphore_mem>>)
    %dma_start3A_54 = arith.constant 5 : i32
    %dma_start3A_55 = arith.constant 100 : i32
    %dma_start3A_56 = arith.constant 0 : i32
    %dma_start3A_57 = tpu.memref_slice %arg10[%dma_start3A_55, %dma_start3A_56] : memref<200x64xf32, #tpu.memory_space<vmem>> -> memref<100x64xf32, #tpu.memory_space<vmem>>
    %dma_start3A_58 = arith.constant 0 : i32
    %dma_start3A_59 = tpu.memref_slice %arg6[%dma_start3A_54, %dma_start3A_58] : memref<256x100xi32, #tpu.memory_space<vmem>> -> memref<1x100xi32, #tpu.memory_space<vmem>>
    %dma_start3A_60 = tpu.memref_squeeze %dma_start3A_59 : memref<1x100xi32, #tpu.memory_space<vmem>> -> memref<100xi32, #tpu.memory_space<vmem>>
    %dma_start3A_61 = arith.constant 0 : i32
    %dma_start3A_62 = arith.constant 0 : i32
    %dma_start3A_63 = tpu.memref_slice %arg3[%dma_start3A_61, %dma_start3A_62] : memref<1000000x64xf32, #tpu.memory_space<hbm>> -> memref<1000000x64xf32, #tpu.memory_space<hbm>>
    tpu.enqueue_indirect_dma source(%dma_start3A_63 : memref<1000000x64xf32, #tpu.memory_space<hbm>>) target(%dma_start3A_57 : memref<100x64xf32, #tpu.memory_space<vmem>>) offsets(%dma_start3A_60 : memref<100xi32, #tpu.memory_space<vmem>>) semaphore(%arg14 : memref<!tpu.dma_semaphore, #tpu.memory_space<semaphore_mem>>)
    %dma_start3A_64 = arith.constant 6 : i32
    %dma_start3A_65 = arith.constant 0 : i32
    %dma_start3A_66 = arith.constant 0 : i32
    %dma_start3A_67 = tpu.memref_slice %arg11[%dma_start3A_65, %dma_start3A_66] : memref<200x64xf32, #tpu.memory_space<vmem>> -> memref<100x64xf32, #tpu.memory_space<vmem>>
    %dma_start3A_68 = arith.constant 0 : i32
    %dma_start3A_69 = tpu.memref_slice %arg6[%dma_start3A_64, %dma_start3A_68] : memref<256x100xi32, #tpu.memory_space<vmem>> -> memref<1x100xi32, #tpu.memory_space<vmem>>
    %dma_start3A_70 = tpu.memref_squeeze %dma_start3A_69 : memref<1x100xi32, #tpu.memory_space<vmem>> -> memref<100xi32, #tpu.memory_space<vmem>>
    %dma_start3A_71 = arith.constant 0 : i32
    %dma_start3A_72 = arith.constant 0 : i32
    %dma_start3A_73 = tpu.memref_slice %arg3[%dma_start3A_71, %dma_start3A_72] : memref<1000000x64xf32, #tpu.memory_space<hbm>> -> memref<1000000x64xf32, #tpu.memory_space<hbm>>
    tpu.enqueue_indirect_dma source(%dma_start3A_73 : memref<1000000x64xf32, #tpu.memory_space<hbm>>) target(%dma_start3A_67 : memref<100x64xf32, #tpu.memory_space<vmem>>) offsets(%dma_start3A_70 : memref<100xi32, #tpu.memory_space<vmem>>) semaphore(%arg15 : memref<!tpu.dma_semaphore, #tpu.memory_space<semaphore_mem>>)
    %dma_start3A_74 = arith.constant 7 : i32
    %dma_start3A_75 = arith.constant 100 : i32
    %dma_start3A_76 = arith.constant 0 : i32
    %dma_start3A_77 = tpu.memref_slice %arg11[%dma_start3A_75, %dma_start3A_76] : memref<200x64xf32, #tpu.memory_space<vmem>> -> memref<100x64xf32, #tpu.memory_space<vmem>>
    %dma_start3A_78 = arith.constant 0 : i32
    %dma_start3A_79 = tpu.memref_slice %arg6[%dma_start3A_74, %dma_start3A_78] : memref<256x100xi32, #tpu.memory_space<vmem>> -> memref<1x100xi32, #tpu.memory_space<vmem>>
    %dma_start3A_80 = tpu.memref_squeeze %dma_start3A_79 : memref<1x100xi32, #tpu.memory_space<vmem>> -> memref<100xi32, #tpu.memory_space<vmem>>
    %dma_start3A_81 = arith.constant 0 : i32
    %dma_start3A_82 = arith.constant 0 : i32
    %dma_start3A_83 = tpu.memref_slice %arg3[%dma_start3A_81, %dma_start3A_82] : memref<1000000x64xf32, #tpu.memory_space<hbm>> -> memref<1000000x64xf32, #tpu.memory_space<hbm>>
    tpu.enqueue_indirect_dma source(%dma_start3A_83 : memref<1000000x64xf32, #tpu.memory_space<hbm>>) target(%dma_start3A_77 : memref<100x64xf32, #tpu.memory_space<vmem>>) offsets(%dma_start3A_80 : memref<100xi32, #tpu.memory_space<vmem>>) semaphore(%arg15 : memref<!tpu.dma_semaphore, #tpu.memory_space<semaphore_mem>>)
    %scan3A = arith.constant 0 : i32
    %scan3A_84 = arith.constant 32 : i32
    %scan3A_85 = arith.addi %scan3A, %scan3A_84 : i32
    %scan3A_86 = arith.constant 1 : i32
    scf.for %scan3A_123 = %scan3A to %scan3A_85 step %scan3A_86  : i32 {
      %mul3A_124 = arith.constant 1 : i32
      %mul3A_125 = arith.muli %scan3A_123, %mul3A_124 : i32
      %add3A_126 = arith.constant 0 : i32
      %add3A_127 = arith.addi %add3A_126, %mul3A_125 : i32
      %mul3A_128 = arith.constant 4 : i32
      %mul3A_129 = arith.muli %add3A_127, %mul3A_128 : i32
      %add3A_130 = arith.constant 0 : i32
      %add3A_131 = arith.addi %mul3A_129, %add3A_130 : i32
      %ge3A = arith.constant 1 : i32
      %ge3A_132 = arith.cmpi sge, %add3A_131, %ge3A : i32
      %le3A = arith.constant 124 : i32
      %le3A_133 = arith.cmpi sle, %add3A_131, %le3A : i32
      %and3A = arith.andi %ge3A_132, %le3A_133 : i1
      %convert_element_type3A = arith.extui %and3A : i1 to i32
      %cond3A = arith.constant 0 : i32
      %cond3A_134 = arith.cmpi ne, %convert_element_type3A, %cond3A : i32
      scf.if %cond3A_134 {
        %dma_wait3A_347 = arith.constant 0 : i32
        %dma_wait3A_348 = arith.constant 0 : i32
        %dma_wait3A_349 = arith.constant 0 : i32
        %dma_wait3A_350 = tpu.memref_slice %arg5[%dma_wait3A_347, %dma_wait3A_348, %dma_wait3A_349] : memref<4096x200x64xf32, #tpu.memory_space<hbm>> -> memref<1x200x64xf32, #tpu.memory_space<hbm>>
        %dma_wait3A_351 = tpu.memref_squeeze %dma_wait3A_350 : memref<1x200x64xf32, #tpu.memory_space<hbm>> -> memref<200x64xf32, #tpu.memory_space<hbm>>
        %dma_wait3A_352 = arith.constant 0 : i32
        %dma_wait3A_353 = arith.constant 0 : i32
        %dma_wait3A_354 = tpu.memref_slice %arg5[%dma_wait3A_347, %dma_wait3A_352, %dma_wait3A_353] : memref<4096x200x64xf32, #tpu.memory_space<hbm>> -> memref<1x200x64xf32, #tpu.memory_space<hbm>>
        %dma_wait3A_355 = tpu.memref_squeeze %dma_wait3A_354 : memref<1x200x64xf32, #tpu.memory_space<hbm>> -> memref<200x64xf32, #tpu.memory_space<hbm>>
        tpu.wait_dma2 semaphore(%arg19 : memref<!tpu.dma_semaphore, #tpu.memory_space<semaphore_mem>>) src(%arg11 : memref<200x64xf32, #tpu.memory_space<vmem>>) dst(%dma_wait3A_355 : memref<200x64xf32, #tpu.memory_space<hbm>>)
        %add3A_356 = arith.constant 4 : i32
        %add3A_357 = arith.addi %add3A_131, %add3A_356 : i32
        %sub3A = arith.constant 1 : i32
        %sub3A_358 = arith.subi %add3A_357, %sub3A : i32
        %mul3A_359 = arith.constant 2 : i32
        %mul3A_360 = arith.muli %sub3A_358, %mul3A_359 : i32
        %add3A_361 = arith.constant 0 : i32
        %add3A_362 = arith.addi %mul3A_360, %add3A_361 : i32
        %dma_start3A_363 = arith.constant 0 : i32
        %dma_start3A_364 = arith.constant 0 : i32
        %dma_start3A_365 = tpu.memref_slice %arg11[%dma_start3A_363, %dma_start3A_364] : memref<200x64xf32, #tpu.memory_space<vmem>> -> memref<100x64xf32, #tpu.memory_space<vmem>>
        %dma_start3A_366 = arith.constant 0 : i32
        %dma_start3A_367 = tpu.memref_slice %arg6[%add3A_362, %dma_start3A_366] : memref<256x100xi32, #tpu.memory_space<vmem>> -> memref<1x100xi32, #tpu.memory_space<vmem>>
        %dma_start3A_368 = tpu.memref_squeeze %dma_start3A_367 : memref<1x100xi32, #tpu.memory_space<vmem>> -> memref<100xi32, #tpu.memory_space<vmem>>
        %dma_start3A_369 = arith.constant 0 : i32
        %dma_start3A_370 = arith.constant 0 : i32
        %dma_start3A_371 = tpu.memref_slice %arg3[%dma_start3A_369, %dma_start3A_370] : memref<1000000x64xf32, #tpu.memory_space<hbm>> -> memref<1000000x64xf32, #tpu.memory_space<hbm>>
        tpu.enqueue_indirect_dma source(%dma_start3A_371 : memref<1000000x64xf32, #tpu.memory_space<hbm>>) target(%dma_start3A_365 : memref<100x64xf32, #tpu.memory_space<vmem>>) offsets(%dma_start3A_368 : memref<100xi32, #tpu.memory_space<vmem>>) semaphore(%arg15 : memref<!tpu.dma_semaphore, #tpu.memory_space<semaphore_mem>>)
        %mul3A_372 = arith.constant 2 : i32
        %mul3A_373 = arith.muli %sub3A_358, %mul3A_372 : i32
        %add3A_374 = arith.constant 1 : i32
        %add3A_375 = arith.addi %mul3A_373, %add3A_374 : i32
        %dma_start3A_376 = arith.constant 100 : i32
        %dma_start3A_377 = arith.constant 0 : i32
        %dma_start3A_378 = tpu.memref_slice %arg11[%dma_start3A_376, %dma_start3A_377] : memref<200x64xf32, #tpu.memory_space<vmem>> -> memref<100x64xf32, #tpu.memory_space<vmem>>
        %dma_start3A_379 = arith.constant 0 : i32
        %dma_start3A_380 = tpu.memref_slice %arg6[%add3A_375, %dma_start3A_379] : memref<256x100xi32, #tpu.memory_space<vmem>> -> memref<1x100xi32, #tpu.memory_space<vmem>>
        %dma_start3A_381 = tpu.memref_squeeze %dma_start3A_380 : memref<1x100xi32, #tpu.memory_space<vmem>> -> memref<100xi32, #tpu.memory_space<vmem>>
        %dma_start3A_382 = arith.constant 0 : i32
        %dma_start3A_383 = arith.constant 0 : i32
        %dma_start3A_384 = tpu.memref_slice %arg3[%dma_start3A_382, %dma_start3A_383] : memref<1000000x64xf32, #tpu.memory_space<hbm>> -> memref<1000000x64xf32, #tpu.memory_space<hbm>>
        tpu.enqueue_indirect_dma source(%dma_start3A_384 : memref<1000000x64xf32, #tpu.memory_space<hbm>>) target(%dma_start3A_378 : memref<100x64xf32, #tpu.memory_space<vmem>>) offsets(%dma_start3A_381 : memref<100xi32, #tpu.memory_space<vmem>>) semaphore(%arg15 : memref<!tpu.dma_semaphore, #tpu.memory_space<semaphore_mem>>)
      } else {
      }
      %dma_wait3A_135 = arith.constant 0 : i32
      %dma_wait3A_136 = arith.constant 0 : i32
      %dma_wait3A_137 = arith.constant 0 : i32
      %dma_wait3A_138 = tpu.memref_slice %arg8[%dma_wait3A_136, %dma_wait3A_137] : memref<200x64xf32, #tpu.memory_space<vmem>> -> memref<100x64xf32, #tpu.memory_space<vmem>>
      %dma_wait3A_139 = arith.constant 0 : i32
      %dma_wait3A_140 = arith.constant 0 : i32
      %dma_wait3A_141 = tpu.memref_slice %arg5[%dma_wait3A_135, %dma_wait3A_139, %dma_wait3A_140] : memref<4096x200x64xf32, #tpu.memory_space<hbm>> -> memref<1x100x64xf32, #tpu.memory_space<hbm>>
      %dma_wait3A_142 = tpu.memref_squeeze %dma_wait3A_141 : memref<1x100x64xf32, #tpu.memory_space<hbm>> -> memref<100x64xf32, #tpu.memory_space<hbm>>
      %dma_wait3A_143 = arith.constant 0 : i32
      %dma_wait3A_144 = arith.constant 0 : i32
      %dma_wait3A_145 = tpu.memref_slice %arg8[%dma_wait3A_143, %dma_wait3A_144] : memref<200x64xf32, #tpu.memory_space<vmem>> -> memref<100x64xf32, #tpu.memory_space<vmem>>
      %dma_wait3A_146 = arith.constant 0 : i32
      %dma_wait3A_147 = arith.constant 0 : i32
      %dma_wait3A_148 = tpu.memref_slice %arg5[%dma_wait3A_135, %dma_wait3A_146, %dma_wait3A_147] : memref<4096x200x64xf32, #tpu.memory_space<hbm>> -> memref<1x100x64xf32, #tpu.memory_space<hbm>>
      %dma_wait3A_149 = tpu.memref_squeeze %dma_wait3A_148 : memref<1x100x64xf32, #tpu.memory_space<hbm>> -> memref<100x64xf32, #tpu.memory_space<hbm>>
      tpu.wait_dma2 semaphore(%arg12 : memref<!tpu.dma_semaphore, #tpu.memory_space<semaphore_mem>>) src(%dma_wait3A_149 : memref<100x64xf32, #tpu.memory_space<hbm>>) dst(%dma_wait3A_145 : memref<100x64xf32, #tpu.memory_space<vmem>>)
      %dma_wait3A_150 = arith.constant 0 : i32
      %dma_wait3A_151 = arith.constant 0 : i32
      %dma_wait3A_152 = arith.constant 0 : i32
      %dma_wait3A_153 = tpu.memref_slice %arg8[%dma_wait3A_151, %dma_wait3A_152] : memref<200x64xf32, #tpu.memory_space<vmem>> -> memref<100x64xf32, #tpu.memory_space<vmem>>
      %dma_wait3A_154 = arith.constant 0 : i32
      %dma_wait3A_155 = arith.constant 0 : i32
      %dma_wait3A_156 = tpu.memref_slice %arg5[%dma_wait3A_150, %dma_wait3A_154, %dma_wait3A_155] : memref<4096x200x64xf32, #tpu.memory_space<hbm>> -> memref<1x100x64xf32, #tpu.memory_space<hbm>>
      %dma_wait3A_157 = tpu.memref_squeeze %dma_wait3A_156 : memref<1x100x64xf32, #tpu.memory_space<hbm>> -> memref<100x64xf32, #tpu.memory_space<hbm>>
      %dma_wait3A_158 = arith.constant 0 : i32
      %dma_wait3A_159 = arith.constant 0 : i32
      %dma_wait3A_160 = tpu.memref_slice %arg8[%dma_wait3A_158, %dma_wait3A_159] : memref<200x64xf32, #tpu.memory_space<vmem>> -> memref<100x64xf32, #tpu.memory_space<vmem>>
      %dma_wait3A_161 = arith.constant 0 : i32
      %dma_wait3A_162 = arith.constant 0 : i32
      %dma_wait3A_163 = tpu.memref_slice %arg5[%dma_wait3A_150, %dma_wait3A_161, %dma_wait3A_162] : memref<4096x200x64xf32, #tpu.memory_space<hbm>> -> memref<1x100x64xf32, #tpu.memory_space<hbm>>
      %dma_wait3A_164 = tpu.memref_squeeze %dma_wait3A_163 : memref<1x100x64xf32, #tpu.memory_space<hbm>> -> memref<100x64xf32, #tpu.memory_space<hbm>>
      tpu.wait_dma2 semaphore(%arg12 : memref<!tpu.dma_semaphore, #tpu.memory_space<semaphore_mem>>) src(%dma_wait3A_164 : memref<100x64xf32, #tpu.memory_space<hbm>>) dst(%dma_wait3A_160 : memref<100x64xf32, #tpu.memory_space<vmem>>)
      %scan3A_165 = arith.constant 0 : i32
      %scan3A_166 = arith.constant 200 : i32
      %scan3A_167 = arith.addi %scan3A_165, %scan3A_166 : i32
      %scan3A_168 = arith.constant 1 : i32
      scf.for %scan3A_347 = %scan3A_165 to %scan3A_167 step %scan3A_168  : i32 {
        %mul3A_348 = arith.constant 1 : i32
        %mul3A_349 = arith.muli %scan3A_347, %mul3A_348 : i32
        %add3A_350 = arith.constant 0 : i32
        %add3A_351 = arith.addi %add3A_350, %mul3A_349 : i32
        %get3A = arith.index_cast %add3A_351 : i32 to index
        %get3A_352 = arith.constant 0 : index
        %get3A_353 = tpu.vector_load %arg7[%get3A, %get3A_352] {strides = array<i32>} : memref<200x64xf32, #tpu.memory_space<vmem>>, vector<1x16xf32>,
        %get3A_354 = vector.shape_cast %get3A_353 : vector<1x16xf32> to vector<16xf32>
        %swap3A = arith.index_cast %add3A_351 : i32 to index
        %swap3A_355 = arith.constant 0 : index
        %swap3A_356 = tpu.vector_load %arg8[%swap3A, %swap3A_355] {strides = array<i32>} : memref<200x64xf32, #tpu.memory_space<vmem>>, vector<1x16xf32>,
        %swap3A_357 = vector.shape_cast %swap3A_356 : vector<1x16xf32> to vector<16xf32>
        %swap3A_358 = vector.shape_cast %get3A_354 : vector<16xf32> to vector<1x16xf32>
        tpu.vector_store %arg8[%swap3A, %swap3A_355], %swap3A_358 {add = true, strides = array<i32>} : memref<200x64xf32, #tpu.memory_space<vmem>>, vector<1x16xf32>,
        %get3A_359 = arith.index_cast %add3A_351 : i32 to index
        %get3A_360 = arith.constant 16 : index
        %get3A_361 = tpu.vector_load %arg7[%get3A_359, %get3A_360] {strides = array<i32>} : memref<200x64xf32, #tpu.memory_space<vmem>>, vector<1x16xf32>,
        %get3A_362 = vector.shape_cast %get3A_361 : vector<1x16xf32> to vector<16xf32>
        %swap3A_363 = arith.index_cast %add3A_351 : i32 to index
        %swap3A_364 = arith.constant 16 : index
        %swap3A_365 = tpu.vector_load %arg8[%swap3A_363, %swap3A_364] {strides = array<i32>} : memref<200x64xf32, #tpu.memory_space<vmem>>, vector<1x16xf32>,
        %swap3A_366 = vector.shape_cast %swap3A_365 : vector<1x16xf32> to vector<16xf32>
        %swap3A_367 = vector.shape_cast %get3A_362 : vector<16xf32> to vector<1x16xf32>
        tpu.vector_store %arg8[%swap3A_363, %swap3A_364], %swap3A_367 {add = true, strides = array<i32>} : memref<200x64xf32, #tpu.memory_space<vmem>>, vector<1x16xf32>,
        %get3A_368 = arith.index_cast %add3A_351 : i32 to index
        %get3A_369 = arith.constant 32 : index
        %get3A_370 = tpu.vector_load %arg7[%get3A_368, %get3A_369] {strides = array<i32>} : memref<200x64xf32, #tpu.memory_space<vmem>>, vector<1x16xf32>,
        %get3A_371 = vector.shape_cast %get3A_370 : vector<1x16xf32> to vector<16xf32>
        %swap3A_372 = arith.index_cast %add3A_351 : i32 to index
        %swap3A_373 = arith.constant 32 : index
        %swap3A_374 = tpu.vector_load %arg8[%swap3A_372, %swap3A_373] {strides = array<i32>} : memref<200x64xf32, #tpu.memory_space<vmem>>, vector<1x16xf32>,
        %swap3A_375 = vector.shape_cast %swap3A_374 : vector<1x16xf32> to vector<16xf32>
        %swap3A_376 = vector.shape_cast %get3A_371 : vector<16xf32> to vector<1x16xf32>
        tpu.vector_store %arg8[%swap3A_372, %swap3A_373], %swap3A_376 {add = true, strides = array<i32>} : memref<200x64xf32, #tpu.memory_space<vmem>>, vector<1x16xf32>,
        %get3A_377 = arith.index_cast %add3A_351 : i32 to index
        %get3A_378 = arith.constant 48 : index
        %get3A_379 = tpu.vector_load %arg7[%get3A_377, %get3A_378] {strides = array<i32>} : memref<200x64xf32, #tpu.memory_space<vmem>>, vector<1x16xf32>,
        %get3A_380 = vector.shape_cast %get3A_379 : vector<1x16xf32> to vector<16xf32>
        %swap3A_381 = arith.index_cast %add3A_351 : i32 to index
        %swap3A_382 = arith.constant 48 : index
        %swap3A_383 = tpu.vector_load %arg8[%swap3A_381, %swap3A_382] {strides = array<i32>} : memref<200x64xf32, #tpu.memory_space<vmem>>, vector<1x16xf32>,
        %swap3A_384 = vector.shape_cast %swap3A_383 : vector<1x16xf32> to vector<16xf32>
        %swap3A_385 = vector.shape_cast %get3A_380 : vector<16xf32> to vector<1x16xf32>
        tpu.vector_store %arg8[%swap3A_381, %swap3A_382], %swap3A_385 {add = true, strides = array<i32>} : memref<200x64xf32, #tpu.memory_space<vmem>>, vector<1x16xf32>,
      }
      %scan3A_169 = arith.constant 200 : i32
      %add3A_170 = arith.addi %mul3A_2, %add3A_131 : i32
      %dma_start3A_171 = arith.constant 0 : i32
      %dma_start3A_172 = arith.constant 0 : i32
      %dma_start3A_173 = tpu.memref_slice %arg5[%add3A_170, %dma_start3A_171, %dma_start3A_172] : memref<4096x200x64xf32, #tpu.memory_space<hbm>> -> memref<1x200x64xf32, #tpu.memory_space<hbm>>
      %dma_start3A_174 = tpu.memref_squeeze %dma_start3A_173 : memref<1x200x64xf32, #tpu.memory_space<hbm>> -> memref<200x64xf32, #tpu.memory_space<hbm>>
      %dma_start3A_175 = arith.constant 0 : i32
      %dma_start3A_176 = arith.constant 0 : i32
      %dma_start3A_177 = tpu.memref_slice %arg5[%add3A_170, %dma_start3A_175, %dma_start3A_176] : memref<4096x200x64xf32, #tpu.memory_space<hbm>> -> memref<1x200x64xf32, #tpu.memory_space<hbm>>
      %dma_start3A_178 = tpu.memref_squeeze %dma_start3A_177 : memref<1x200x64xf32, #tpu.memory_space<hbm>> -> memref<200x64xf32, #tpu.memory_space<hbm>>
      tpu.enqueue_dma source(%arg8 : memref<200x64xf32, #tpu.memory_space<vmem>>) target(%dma_start3A_178 : memref<200x64xf32, #tpu.memory_space<hbm>>) target_semaphore(%arg16 : memref<!tpu.dma_semaphore, #tpu.memory_space<semaphore_mem>>)
      %mul3A_179 = arith.constant 4 : i32
      %mul3A_180 = arith.muli %add3A_127, %mul3A_179 : i32
      %add3A_181 = arith.constant 1 : i32
      %add3A_182 = arith.addi %mul3A_180, %add3A_181 : i32
      %ge3A_183 = arith.constant 1 : i32
      %ge3A_184 = arith.cmpi sge, %add3A_182, %ge3A_183 : i32
      %le3A_185 = arith.constant 124 : i32
      %le3A_186 = arith.cmpi sle, %add3A_182, %le3A_185 : i32
      %and3A_187 = arith.andi %ge3A_184, %le3A_186 : i1
      %convert_element_type3A_188 = arith.extui %and3A_187 : i1 to i32
      %cond3A_189 = arith.constant 0 : i32
      %cond3A_190 = arith.cmpi ne, %convert_element_type3A_188, %cond3A_189 : i32
      scf.if %cond3A_190 {
        %dma_wait3A_347 = arith.constant 0 : i32
        %dma_wait3A_348 = arith.constant 0 : i32
        %dma_wait3A_349 = arith.constant 0 : i32
        %dma_wait3A_350 = tpu.memref_slice %arg5[%dma_wait3A_347, %dma_wait3A_348, %dma_wait3A_349] : memref<4096x200x64xf32, #tpu.memory_space<hbm>> -> memref<1x200x64xf32, #tpu.memory_space<hbm>>
        %dma_wait3A_351 = tpu.memref_squeeze %dma_wait3A_350 : memref<1x200x64xf32, #tpu.memory_space<hbm>> -> memref<200x64xf32, #tpu.memory_space<hbm>>
        %dma_wait3A_352 = arith.constant 0 : i32
        %dma_wait3A_353 = arith.constant 0 : i32
        %dma_wait3A_354 = tpu.memref_slice %arg5[%dma_wait3A_347, %dma_wait3A_352, %dma_wait3A_353] : memref<4096x200x64xf32, #tpu.memory_space<hbm>> -> memref<1x200x64xf32, #tpu.memory_space<hbm>>
        %dma_wait3A_355 = tpu.memref_squeeze %dma_wait3A_354 : memref<1x200x64xf32, #tpu.memory_space<hbm>> -> memref<200x64xf32, #tpu.memory_space<hbm>>
        tpu.wait_dma2 semaphore(%arg16 : memref<!tpu.dma_semaphore, #tpu.memory_space<semaphore_mem>>) src(%arg8 : memref<200x64xf32, #tpu.memory_space<vmem>>) dst(%dma_wait3A_355 : memref<200x64xf32, #tpu.memory_space<hbm>>)
        %add3A_356 = arith.constant 4 : i32
        %add3A_357 = arith.addi %add3A_182, %add3A_356 : i32
        %sub3A = arith.constant 1 : i32
        %sub3A_358 = arith.subi %add3A_357, %sub3A : i32
        %mul3A_359 = arith.constant 2 : i32
        %mul3A_360 = arith.muli %sub3A_358, %mul3A_359 : i32
        %add3A_361 = arith.constant 0 : i32
        %add3A_362 = arith.addi %mul3A_360, %add3A_361 : i32
        %dma_start3A_363 = arith.constant 0 : i32
        %dma_start3A_364 = arith.constant 0 : i32
        %dma_start3A_365 = tpu.memref_slice %arg8[%dma_start3A_363, %dma_start3A_364] : memref<200x64xf32, #tpu.memory_space<vmem>> -> memref<100x64xf32, #tpu.memory_space<vmem>>
        %dma_start3A_366 = arith.constant 0 : i32
        %dma_start3A_367 = tpu.memref_slice %arg6[%add3A_362, %dma_start3A_366] : memref<256x100xi32, #tpu.memory_space<vmem>> -> memref<1x100xi32, #tpu.memory_space<vmem>>
        %dma_start3A_368 = tpu.memref_squeeze %dma_start3A_367 : memref<1x100xi32, #tpu.memory_space<vmem>> -> memref<100xi32, #tpu.memory_space<vmem>>
        %dma_start3A_369 = arith.constant 0 : i32
        %dma_start3A_370 = arith.constant 0 : i32
        %dma_start3A_371 = tpu.memref_slice %arg3[%dma_start3A_369, %dma_start3A_370] : memref<1000000x64xf32, #tpu.memory_space<hbm>> -> memref<1000000x64xf32, #tpu.memory_space<hbm>>
        tpu.enqueue_indirect_dma source(%dma_start3A_371 : memref<1000000x64xf32, #tpu.memory_space<hbm>>) target(%dma_start3A_365 : memref<100x64xf32, #tpu.memory_space<vmem>>) offsets(%dma_start3A_368 : memref<100xi32, #tpu.memory_space<vmem>>) semaphore(%arg12 : memref<!tpu.dma_semaphore, #tpu.memory_space<semaphore_mem>>)
        %mul3A_372 = arith.constant 2 : i32
        %mul3A_373 = arith.muli %sub3A_358, %mul3A_372 : i32
        %add3A_374 = arith.constant 1 : i32
        %add3A_375 = arith.addi %mul3A_373, %add3A_374 : i32
        %dma_start3A_376 = arith.constant 100 : i32
        %dma_start3A_377 = arith.constant 0 : i32
        %dma_start3A_378 = tpu.memref_slice %arg8[%dma_start3A_376, %dma_start3A_377] : memref<200x64xf32, #tpu.memory_space<vmem>> -> memref<100x64xf32, #tpu.memory_space<vmem>>
        %dma_start3A_379 = arith.constant 0 : i32
        %dma_start3A_380 = tpu.memref_slice %arg6[%add3A_375, %dma_start3A_379] : memref<256x100xi32, #tpu.memory_space<vmem>> -> memref<1x100xi32, #tpu.memory_space<vmem>>
        %dma_start3A_381 = tpu.memref_squeeze %dma_start3A_380 : memref<1x100xi32, #tpu.memory_space<vmem>> -> memref<100xi32, #tpu.memory_space<vmem>>
        %dma_start3A_382 = arith.constant 0 : i32
        %dma_start3A_383 = arith.constant 0 : i32
        %dma_start3A_384 = tpu.memref_slice %arg3[%dma_start3A_382, %dma_start3A_383] : memref<1000000x64xf32, #tpu.memory_space<hbm>> -> memref<1000000x64xf32, #tpu.memory_space<hbm>>
        tpu.enqueue_indirect_dma source(%dma_start3A_384 : memref<1000000x64xf32, #tpu.memory_space<hbm>>) target(%dma_start3A_378 : memref<100x64xf32, #tpu.memory_space<vmem>>) offsets(%dma_start3A_381 : memref<100xi32, #tpu.memory_space<vmem>>) semaphore(%arg12 : memref<!tpu.dma_semaphore, #tpu.memory_space<semaphore_mem>>)
      } else {
      }
      %dma_wait3A_191 = arith.constant 0 : i32
      %dma_wait3A_192 = arith.constant 0 : i32
      %dma_wait3A_193 = arith.constant 0 : i32
      %dma_wait3A_194 = tpu.memref_slice %arg9[%dma_wait3A_192, %dma_wait3A_193] : memref<200x64xf32, #tpu.memory_space<vmem>> -> memref<100x64xf32, #tpu.memory_space<vmem>>
      %dma_wait3A_195 = arith.constant 0 : i32
      %dma_wait3A_196 = arith.constant 0 : i32
      %dma_wait3A_197 = tpu.memref_slice %arg5[%dma_wait3A_191, %dma_wait3A_195, %dma_wait3A_196] : memref<4096x200x64xf32, #tpu.memory_space<hbm>> -> memref<1x100x64xf32, #tpu.memory_space<hbm>>
      %dma_wait3A_198 = tpu.memref_squeeze %dma_wait3A_197 : memref<1x100x64xf32, #tpu.memory_space<hbm>> -> memref<100x64xf32, #tpu.memory_space<hbm>>
      %dma_wait3A_199 = arith.constant 0 : i32
      %dma_wait3A_200 = arith.constant 0 : i32
      %dma_wait3A_201 = tpu.memref_slice %arg9[%dma_wait3A_199, %dma_wait3A_200] : memref<200x64xf32, #tpu.memory_space<vmem>> -> memref<100x64xf32, #tpu.memory_space<vmem>>
      %dma_wait3A_202 = arith.constant 0 : i32
      %dma_wait3A_203 = arith.constant 0 : i32
      %dma_wait3A_204 = tpu.memref_slice %arg5[%dma_wait3A_191, %dma_wait3A_202, %dma_wait3A_203] : memref<4096x200x64xf32, #tpu.memory_space<hbm>> -> memref<1x100x64xf32, #tpu.memory_space<hbm>>
      %dma_wait3A_205 = tpu.memref_squeeze %dma_wait3A_204 : memref<1x100x64xf32, #tpu.memory_space<hbm>> -> memref<100x64xf32, #tpu.memory_space<hbm>>
      tpu.wait_dma2 semaphore(%arg13 : memref<!tpu.dma_semaphore, #tpu.memory_space<semaphore_mem>>) src(%dma_wait3A_205 : memref<100x64xf32, #tpu.memory_space<hbm>>) dst(%dma_wait3A_201 : memref<100x64xf32, #tpu.memory_space<vmem>>)
      %dma_wait3A_206 = arith.constant 0 : i32
      %dma_wait3A_207 = arith.constant 0 : i32
      %dma_wait3A_208 = arith.constant 0 : i32
      %dma_wait3A_209 = tpu.memref_slice %arg9[%dma_wait3A_207, %dma_wait3A_208] : memref<200x64xf32, #tpu.memory_space<vmem>> -> memref<100x64xf32, #tpu.memory_space<vmem>>
      %dma_wait3A_210 = arith.constant 0 : i32
      %dma_wait3A_211 = arith.constant 0 : i32
      %dma_wait3A_212 = tpu.memref_slice %arg5[%dma_wait3A_206, %dma_wait3A_210, %dma_wait3A_211] : memref<4096x200x64xf32, #tpu.memory_space<hbm>> -> memref<1x100x64xf32, #tpu.memory_space<hbm>>
      %dma_wait3A_213 = tpu.memref_squeeze %dma_wait3A_212 : memref<1x100x64xf32, #tpu.memory_space<hbm>> -> memref<100x64xf32, #tpu.memory_space<hbm>>
      %dma_wait3A_214 = arith.constant 0 : i32
      %dma_wait3A_215 = arith.constant 0 : i32
      %dma_wait3A_216 = tpu.memref_slice %arg9[%dma_wait3A_214, %dma_wait3A_215] : memref<200x64xf32, #tpu.memory_space<vmem>> -> memref<100x64xf32, #tpu.memory_space<vmem>>
      %dma_wait3A_217 = arith.constant 0 : i32
      %dma_wait3A_218 = arith.constant 0 : i32
      %dma_wait3A_219 = tpu.memref_slice %arg5[%dma_wait3A_206, %dma_wait3A_217, %dma_wait3A_218] : memref<4096x200x64xf32, #tpu.memory_space<hbm>> -> memref<1x100x64xf32, #tpu.memory_space<hbm>>
      %dma_wait3A_220 = tpu.memref_squeeze %dma_wait3A_219 : memref<1x100x64xf32, #tpu.memory_space<hbm>> -> memref<100x64xf32, #tpu.memory_space<hbm>>
      tpu.wait_dma2 semaphore(%arg13 : memref<!tpu.dma_semaphore, #tpu.memory_space<semaphore_mem>>) src(%dma_wait3A_220 : memref<100x64xf32, #tpu.memory_space<hbm>>) dst(%dma_wait3A_216 : memref<100x64xf32, #tpu.memory_space<vmem>>)
      %scan3A_221 = arith.constant 0 : i32
      %scan3A_222 = arith.constant 200 : i32
      %scan3A_223 = arith.addi %scan3A_221, %scan3A_222 : i32
      %scan3A_224 = arith.constant 1 : i32
      scf.for %scan3A_347 = %scan3A_221 to %scan3A_223 step %scan3A_224  : i32 {
        %mul3A_348 = arith.constant 1 : i32
        %mul3A_349 = arith.muli %scan3A_347, %mul3A_348 : i32
        %add3A_350 = arith.constant 0 : i32
        %add3A_351 = arith.addi %add3A_350, %mul3A_349 : i32
        %get3A = arith.index_cast %add3A_351 : i32 to index
        %get3A_352 = arith.constant 0 : index
        %get3A_353 = tpu.vector_load %arg7[%get3A, %get3A_352] {strides = array<i32>} : memref<200x64xf32, #tpu.memory_space<vmem>>, vector<1x16xf32>,
        %get3A_354 = vector.shape_cast %get3A_353 : vector<1x16xf32> to vector<16xf32>
        %swap3A = arith.index_cast %add3A_351 : i32 to index
        %swap3A_355 = arith.constant 0 : index
        %swap3A_356 = tpu.vector_load %arg9[%swap3A, %swap3A_355] {strides = array<i32>} : memref<200x64xf32, #tpu.memory_space<vmem>>, vector<1x16xf32>,
        %swap3A_357 = vector.shape_cast %swap3A_356 : vector<1x16xf32> to vector<16xf32>
        %swap3A_358 = vector.shape_cast %get3A_354 : vector<16xf32> to vector<1x16xf32>
        tpu.vector_store %arg9[%swap3A, %swap3A_355], %swap3A_358 {add = true, strides = array<i32>} : memref<200x64xf32, #tpu.memory_space<vmem>>, vector<1x16xf32>,
        %get3A_359 = arith.index_cast %add3A_351 : i32 to index
        %get3A_360 = arith.constant 16 : index
        %get3A_361 = tpu.vector_load %arg7[%get3A_359, %get3A_360] {strides = array<i32>} : memref<200x64xf32, #tpu.memory_space<vmem>>, vector<1x16xf32>,
        %get3A_362 = vector.shape_cast %get3A_361 : vector<1x16xf32> to vector<16xf32>
        %swap3A_363 = arith.index_cast %add3A_351 : i32 to index
        %swap3A_364 = arith.constant 16 : index
        %swap3A_365 = tpu.vector_load %arg9[%swap3A_363, %swap3A_364] {strides = array<i32>} : memref<200x64xf32, #tpu.memory_space<vmem>>, vector<1x16xf32>,
        %swap3A_366 = vector.shape_cast %swap3A_365 : vector<1x16xf32> to vector<16xf32>
        %swap3A_367 = vector.shape_cast %get3A_362 : vector<16xf32> to vector<1x16xf32>
        tpu.vector_store %arg9[%swap3A_363, %swap3A_364], %swap3A_367 {add = true, strides = array<i32>} : memref<200x64xf32, #tpu.memory_space<vmem>>, vector<1x16xf32>,
        %get3A_368 = arith.index_cast %add3A_351 : i32 to index
        %get3A_369 = arith.constant 32 : index
        %get3A_370 = tpu.vector_load %arg7[%get3A_368, %get3A_369] {strides = array<i32>} : memref<200x64xf32, #tpu.memory_space<vmem>>, vector<1x16xf32>,
        %get3A_371 = vector.shape_cast %get3A_370 : vector<1x16xf32> to vector<16xf32>
        %swap3A_372 = arith.index_cast %add3A_351 : i32 to index
        %swap3A_373 = arith.constant 32 : index
        %swap3A_374 = tpu.vector_load %arg9[%swap3A_372, %swap3A_373] {strides = array<i32>} : memref<200x64xf32, #tpu.memory_space<vmem>>, vector<1x16xf32>,
        %swap3A_375 = vector.shape_cast %swap3A_374 : vector<1x16xf32> to vector<16xf32>
        %swap3A_376 = vector.shape_cast %get3A_371 : vector<16xf32> to vector<1x16xf32>
        tpu.vector_store %arg9[%swap3A_372, %swap3A_373], %swap3A_376 {add = true, strides = array<i32>} : memref<200x64xf32, #tpu.memory_space<vmem>>, vector<1x16xf32>,
        %get3A_377 = arith.index_cast %add3A_351 : i32 to index
        %get3A_378 = arith.constant 48 : index
        %get3A_379 = tpu.vector_load %arg7[%get3A_377, %get3A_378] {strides = array<i32>} : memref<200x64xf32, #tpu.memory_space<vmem>>, vector<1x16xf32>,
        %get3A_380 = vector.shape_cast %get3A_379 : vector<1x16xf32> to vector<16xf32>
        %swap3A_381 = arith.index_cast %add3A_351 : i32 to index
        %swap3A_382 = arith.constant 48 : index
        %swap3A_383 = tpu.vector_load %arg9[%swap3A_381, %swap3A_382] {strides = array<i32>} : memref<200x64xf32, #tpu.memory_space<vmem>>, vector<1x16xf32>,
        %swap3A_384 = vector.shape_cast %swap3A_383 : vector<1x16xf32> to vector<16xf32>
        %swap3A_385 = vector.shape_cast %get3A_380 : vector<16xf32> to vector<1x16xf32>
        tpu.vector_store %arg9[%swap3A_381, %swap3A_382], %swap3A_385 {add = true, strides = array<i32>} : memref<200x64xf32, #tpu.memory_space<vmem>>, vector<1x16xf32>,
      }
      %scan3A_225 = arith.constant 200 : i32
      %add3A_226 = arith.addi %mul3A_2, %add3A_182 : i32
      %dma_start3A_227 = arith.constant 0 : i32
      %dma_start3A_228 = arith.constant 0 : i32
      %dma_start3A_229 = tpu.memref_slice %arg5[%add3A_226, %dma_start3A_227, %dma_start3A_228] : memref<4096x200x64xf32, #tpu.memory_space<hbm>> -> memref<1x200x64xf32, #tpu.memory_space<hbm>>
      %dma_start3A_230 = tpu.memref_squeeze %dma_start3A_229 : memref<1x200x64xf32, #tpu.memory_space<hbm>> -> memref<200x64xf32, #tpu.memory_space<hbm>>
      %dma_start3A_231 = arith.constant 0 : i32
      %dma_start3A_232 = arith.constant 0 : i32
      %dma_start3A_233 = tpu.memref_slice %arg5[%add3A_226, %dma_start3A_231, %dma_start3A_232] : memref<4096x200x64xf32, #tpu.memory_space<hbm>> -> memref<1x200x64xf32, #tpu.memory_space<hbm>>
      %dma_start3A_234 = tpu.memref_squeeze %dma_start3A_233 : memref<1x200x64xf32, #tpu.memory_space<hbm>> -> memref<200x64xf32, #tpu.memory_space<hbm>>
      tpu.enqueue_dma source(%arg9 : memref<200x64xf32, #tpu.memory_space<vmem>>) target(%dma_start3A_234 : memref<200x64xf32, #tpu.memory_space<hbm>>) target_semaphore(%arg17 : memref<!tpu.dma_semaphore, #tpu.memory_space<semaphore_mem>>)
      %mul3A_235 = arith.constant 4 : i32
      %mul3A_236 = arith.muli %add3A_127, %mul3A_235 : i32
      %add3A_237 = arith.constant 2 : i32
      %add3A_238 = arith.addi %mul3A_236, %add3A_237 : i32
      %ge3A_239 = arith.constant 1 : i32
      %ge3A_240 = arith.cmpi sge, %add3A_238, %ge3A_239 : i32
      %le3A_241 = arith.constant 124 : i32
      %le3A_242 = arith.cmpi sle, %add3A_238, %le3A_241 : i32
      %and3A_243 = arith.andi %ge3A_240, %le3A_242 : i1
      %convert_element_type3A_244 = arith.extui %and3A_243 : i1 to i32
      %cond3A_245 = arith.constant 0 : i32
      %cond3A_246 = arith.cmpi ne, %convert_element_type3A_244, %cond3A_245 : i32
      scf.if %cond3A_246 {
        %dma_wait3A_347 = arith.constant 0 : i32
        %dma_wait3A_348 = arith.constant 0 : i32
        %dma_wait3A_349 = arith.constant 0 : i32
        %dma_wait3A_350 = tpu.memref_slice %arg5[%dma_wait3A_347, %dma_wait3A_348, %dma_wait3A_349] : memref<4096x200x64xf32, #tpu.memory_space<hbm>> -> memref<1x200x64xf32, #tpu.memory_space<hbm>>
        %dma_wait3A_351 = tpu.memref_squeeze %dma_wait3A_350 : memref<1x200x64xf32, #tpu.memory_space<hbm>> -> memref<200x64xf32, #tpu.memory_space<hbm>>
        %dma_wait3A_352 = arith.constant 0 : i32
        %dma_wait3A_353 = arith.constant 0 : i32
        %dma_wait3A_354 = tpu.memref_slice %arg5[%dma_wait3A_347, %dma_wait3A_352, %dma_wait3A_353] : memref<4096x200x64xf32, #tpu.memory_space<hbm>> -> memref<1x200x64xf32, #tpu.memory_space<hbm>>
        %dma_wait3A_355 = tpu.memref_squeeze %dma_wait3A_354 : memref<1x200x64xf32, #tpu.memory_space<hbm>> -> memref<200x64xf32, #tpu.memory_space<hbm>>
        tpu.wait_dma2 semaphore(%arg17 : memref<!tpu.dma_semaphore, #tpu.memory_space<semaphore_mem>>) src(%arg9 : memref<200x64xf32, #tpu.memory_space<vmem>>) dst(%dma_wait3A_355 : memref<200x64xf32, #tpu.memory_space<hbm>>)
        %add3A_356 = arith.constant 4 : i32
        %add3A_357 = arith.addi %add3A_238, %add3A_356 : i32
        %sub3A = arith.constant 1 : i32
        %sub3A_358 = arith.subi %add3A_357, %sub3A : i32
        %mul3A_359 = arith.constant 2 : i32
        %mul3A_360 = arith.muli %sub3A_358, %mul3A_359 : i32
        %add3A_361 = arith.constant 0 : i32
        %add3A_362 = arith.addi %mul3A_360, %add3A_361 : i32
        %dma_start3A_363 = arith.constant 0 : i32
        %dma_start3A_364 = arith.constant 0 : i32
        %dma_start3A_365 = tpu.memref_slice %arg9[%dma_start3A_363, %dma_start3A_364] : memref<200x64xf32, #tpu.memory_space<vmem>> -> memref<100x64xf32, #tpu.memory_space<vmem>>
        %dma_start3A_366 = arith.constant 0 : i32
        %dma_start3A_367 = tpu.memref_slice %arg6[%add3A_362, %dma_start3A_366] : memref<256x100xi32, #tpu.memory_space<vmem>> -> memref<1x100xi32, #tpu.memory_space<vmem>>
        %dma_start3A_368 = tpu.memref_squeeze %dma_start3A_367 : memref<1x100xi32, #tpu.memory_space<vmem>> -> memref<100xi32, #tpu.memory_space<vmem>>
        %dma_start3A_369 = arith.constant 0 : i32
        %dma_start3A_370 = arith.constant 0 : i32
        %dma_start3A_371 = tpu.memref_slice %arg3[%dma_start3A_369, %dma_start3A_370] : memref<1000000x64xf32, #tpu.memory_space<hbm>> -> memref<1000000x64xf32, #tpu.memory_space<hbm>>
        tpu.enqueue_indirect_dma source(%dma_start3A_371 : memref<1000000x64xf32, #tpu.memory_space<hbm>>) target(%dma_start3A_365 : memref<100x64xf32, #tpu.memory_space<vmem>>) offsets(%dma_start3A_368 : memref<100xi32, #tpu.memory_space<vmem>>) semaphore(%arg13 : memref<!tpu.dma_semaphore, #tpu.memory_space<semaphore_mem>>)
        %mul3A_372 = arith.constant 2 : i32
        %mul3A_373 = arith.muli %sub3A_358, %mul3A_372 : i32
        %add3A_374 = arith.constant 1 : i32
        %add3A_375 = arith.addi %mul3A_373, %add3A_374 : i32
        %dma_start3A_376 = arith.constant 100 : i32
        %dma_start3A_377 = arith.constant 0 : i32
        %dma_start3A_378 = tpu.memref_slice %arg9[%dma_start3A_376, %dma_start3A_377] : memref<200x64xf32, #tpu.memory_space<vmem>> -> memref<100x64xf32, #tpu.memory_space<vmem>>
        %dma_start3A_379 = arith.constant 0 : i32
        %dma_start3A_380 = tpu.memref_slice %arg6[%add3A_375, %dma_start3A_379] : memref<256x100xi32, #tpu.memory_space<vmem>> -> memref<1x100xi32, #tpu.memory_space<vmem>>
        %dma_start3A_381 = tpu.memref_squeeze %dma_start3A_380 : memref<1x100xi32, #tpu.memory_space<vmem>> -> memref<100xi32, #tpu.memory_space<vmem>>
        %dma_start3A_382 = arith.constant 0 : i32
        %dma_start3A_383 = arith.constant 0 : i32
        %dma_start3A_384 = tpu.memref_slice %arg3[%dma_start3A_382, %dma_start3A_383] : memref<1000000x64xf32, #tpu.memory_space<hbm>> -> memref<1000000x64xf32, #tpu.memory_space<hbm>>
        tpu.enqueue_indirect_dma source(%dma_start3A_384 : memref<1000000x64xf32, #tpu.memory_space<hbm>>) target(%dma_start3A_378 : memref<100x64xf32, #tpu.memory_space<vmem>>) offsets(%dma_start3A_381 : memref<100xi32, #tpu.memory_space<vmem>>) semaphore(%arg13 : memref<!tpu.dma_semaphore, #tpu.memory_space<semaphore_mem>>)
      } else {
      }
      %dma_wait3A_247 = arith.constant 0 : i32
      %dma_wait3A_248 = arith.constant 0 : i32
      %dma_wait3A_249 = arith.constant 0 : i32
      %dma_wait3A_250 = tpu.memref_slice %arg10[%dma_wait3A_248, %dma_wait3A_249] : memref<200x64xf32, #tpu.memory_space<vmem>> -> memref<100x64xf32, #tpu.memory_space<vmem>>
      %dma_wait3A_251 = arith.constant 0 : i32
      %dma_wait3A_252 = arith.constant 0 : i32
      %dma_wait3A_253 = tpu.memref_slice %arg5[%dma_wait3A_247, %dma_wait3A_251, %dma_wait3A_252] : memref<4096x200x64xf32, #tpu.memory_space<hbm>> -> memref<1x100x64xf32, #tpu.memory_space<hbm>>
      %dma_wait3A_254 = tpu.memref_squeeze %dma_wait3A_253 : memref<1x100x64xf32, #tpu.memory_space<hbm>> -> memref<100x64xf32, #tpu.memory_space<hbm>>
      %dma_wait3A_255 = arith.constant 0 : i32
      %dma_wait3A_256 = arith.constant 0 : i32
      %dma_wait3A_257 = tpu.memref_slice %arg10[%dma_wait3A_255, %dma_wait3A_256] : memref<200x64xf32, #tpu.memory_space<vmem>> -> memref<100x64xf32, #tpu.memory_space<vmem>>
      %dma_wait3A_258 = arith.constant 0 : i32
      %dma_wait3A_259 = arith.constant 0 : i32
      %dma_wait3A_260 = tpu.memref_slice %arg5[%dma_wait3A_247, %dma_wait3A_258, %dma_wait3A_259] : memref<4096x200x64xf32, #tpu.memory_space<hbm>> -> memref<1x100x64xf32, #tpu.memory_space<hbm>>
      %dma_wait3A_261 = tpu.memref_squeeze %dma_wait3A_260 : memref<1x100x64xf32, #tpu.memory_space<hbm>> -> memref<100x64xf32, #tpu.memory_space<hbm>>
      tpu.wait_dma2 semaphore(%arg14 : memref<!tpu.dma_semaphore, #tpu.memory_space<semaphore_mem>>) src(%dma_wait3A_261 : memref<100x64xf32, #tpu.memory_space<hbm>>) dst(%dma_wait3A_257 : memref<100x64xf32, #tpu.memory_space<vmem>>)
      %dma_wait3A_262 = arith.constant 0 : i32
      %dma_wait3A_263 = arith.constant 0 : i32
      %dma_wait3A_264 = arith.constant 0 : i32
      %dma_wait3A_265 = tpu.memref_slice %arg10[%dma_wait3A_263, %dma_wait3A_264] : memref<200x64xf32, #tpu.memory_space<vmem>> -> memref<100x64xf32, #tpu.memory_space<vmem>>
      %dma_wait3A_266 = arith.constant 0 : i32
      %dma_wait3A_267 = arith.constant 0 : i32
      %dma_wait3A_268 = tpu.memref_slice %arg5[%dma_wait3A_262, %dma_wait3A_266, %dma_wait3A_267] : memref<4096x200x64xf32, #tpu.memory_space<hbm>> -> memref<1x100x64xf32, #tpu.memory_space<hbm>>
      %dma_wait3A_269 = tpu.memref_squeeze %dma_wait3A_268 : memref<1x100x64xf32, #tpu.memory_space<hbm>> -> memref<100x64xf32, #tpu.memory_space<hbm>>
      %dma_wait3A_270 = arith.constant 0 : i32
      %dma_wait3A_271 = arith.constant 0 : i32
      %dma_wait3A_272 = tpu.memref_slice %arg10[%dma_wait3A_270, %dma_wait3A_271] : memref<200x64xf32, #tpu.memory_space<vmem>> -> memref<100x64xf32, #tpu.memory_space<vmem>>
      %dma_wait3A_273 = arith.constant 0 : i32
      %dma_wait3A_274 = arith.constant 0 : i32
      %dma_wait3A_275 = tpu.memref_slice %arg5[%dma_wait3A_262, %dma_wait3A_273, %dma_wait3A_274] : memref<4096x200x64xf32, #tpu.memory_space<hbm>> -> memref<1x100x64xf32, #tpu.memory_space<hbm>>
      %dma_wait3A_276 = tpu.memref_squeeze %dma_wait3A_275 : memref<1x100x64xf32, #tpu.memory_space<hbm>> -> memref<100x64xf32, #tpu.memory_space<hbm>>
      tpu.wait_dma2 semaphore(%arg14 : memref<!tpu.dma_semaphore, #tpu.memory_space<semaphore_mem>>) src(%dma_wait3A_276 : memref<100x64xf32, #tpu.memory_space<hbm>>) dst(%dma_wait3A_272 : memref<100x64xf32, #tpu.memory_space<vmem>>)
      %scan3A_277 = arith.constant 0 : i32
      %scan3A_278 = arith.constant 200 : i32
      %scan3A_279 = arith.addi %scan3A_277, %scan3A_278 : i32
      %scan3A_280 = arith.constant 1 : i32
      scf.for %scan3A_347 = %scan3A_277 to %scan3A_279 step %scan3A_280  : i32 {
        %mul3A_348 = arith.constant 1 : i32
        %mul3A_349 = arith.muli %scan3A_347, %mul3A_348 : i32
        %add3A_350 = arith.constant 0 : i32
        %add3A_351 = arith.addi %add3A_350, %mul3A_349 : i32
        %get3A = arith.index_cast %add3A_351 : i32 to index
        %get3A_352 = arith.constant 0 : index
        %get3A_353 = tpu.vector_load %arg7[%get3A, %get3A_352] {strides = array<i32>} : memref<200x64xf32, #tpu.memory_space<vmem>>, vector<1x16xf32>,
        %get3A_354 = vector.shape_cast %get3A_353 : vector<1x16xf32> to vector<16xf32>
        %swap3A = arith.index_cast %add3A_351 : i32 to index
        %swap3A_355 = arith.constant 0 : index
        %swap3A_356 = tpu.vector_load %arg10[%swap3A, %swap3A_355] {strides = array<i32>} : memref<200x64xf32, #tpu.memory_space<vmem>>, vector<1x16xf32>,
        %swap3A_357 = vector.shape_cast %swap3A_356 : vector<1x16xf32> to vector<16xf32>
        %swap3A_358 = vector.shape_cast %get3A_354 : vector<16xf32> to vector<1x16xf32>
        tpu.vector_store %arg10[%swap3A, %swap3A_355], %swap3A_358 {add = true, strides = array<i32>} : memref<200x64xf32, #tpu.memory_space<vmem>>, vector<1x16xf32>,
        %get3A_359 = arith.index_cast %add3A_351 : i32 to index
        %get3A_360 = arith.constant 16 : index
        %get3A_361 = tpu.vector_load %arg7[%get3A_359, %get3A_360] {strides = array<i32>} : memref<200x64xf32, #tpu.memory_space<vmem>>, vector<1x16xf32>,
        %get3A_362 = vector.shape_cast %get3A_361 : vector<1x16xf32> to vector<16xf32>
        %swap3A_363 = arith.index_cast %add3A_351 : i32 to index
        %swap3A_364 = arith.constant 16 : index
        %swap3A_365 = tpu.vector_load %arg10[%swap3A_363, %swap3A_364] {strides = array<i32>} : memref<200x64xf32, #tpu.memory_space<vmem>>, vector<1x16xf32>,
        %swap3A_366 = vector.shape_cast %swap3A_365 : vector<1x16xf32> to vector<16xf32>
        %swap3A_367 = vector.shape_cast %get3A_362 : vector<16xf32> to vector<1x16xf32>
        tpu.vector_store %arg10[%swap3A_363, %swap3A_364], %swap3A_367 {add = true, strides = array<i32>} : memref<200x64xf32, #tpu.memory_space<vmem>>, vector<1x16xf32>,
        %get3A_368 = arith.index_cast %add3A_351 : i32 to index
        %get3A_369 = arith.constant 32 : index
        %get3A_370 = tpu.vector_load %arg7[%get3A_368, %get3A_369] {strides = array<i32>} : memref<200x64xf32, #tpu.memory_space<vmem>>, vector<1x16xf32>,
        %get3A_371 = vector.shape_cast %get3A_370 : vector<1x16xf32> to vector<16xf32>
        %swap3A_372 = arith.index_cast %add3A_351 : i32 to index
        %swap3A_373 = arith.constant 32 : index
        %swap3A_374 = tpu.vector_load %arg10[%swap3A_372, %swap3A_373] {strides = array<i32>} : memref<200x64xf32, #tpu.memory_space<vmem>>, vector<1x16xf32>,
        %swap3A_375 = vector.shape_cast %swap3A_374 : vector<1x16xf32> to vector<16xf32>
        %swap3A_376 = vector.shape_cast %get3A_371 : vector<16xf32> to vector<1x16xf32>
        tpu.vector_store %arg10[%swap3A_372, %swap3A_373], %swap3A_376 {add = true, strides = array<i32>} : memref<200x64xf32, #tpu.memory_space<vmem>>, vector<1x16xf32>,
        %get3A_377 = arith.index_cast %add3A_351 : i32 to index
        %get3A_378 = arith.constant 48 : index
        %get3A_379 = tpu.vector_load %arg7[%get3A_377, %get3A_378] {strides = array<i32>} : memref<200x64xf32, #tpu.memory_space<vmem>>, vector<1x16xf32>,
        %get3A_380 = vector.shape_cast %get3A_379 : vector<1x16xf32> to vector<16xf32>
        %swap3A_381 = arith.index_cast %add3A_351 : i32 to index
        %swap3A_382 = arith.constant 48 : index
        %swap3A_383 = tpu.vector_load %arg10[%swap3A_381, %swap3A_382] {strides = array<i32>} : memref<200x64xf32, #tpu.memory_space<vmem>>, vector<1x16xf32>,
        %swap3A_384 = vector.shape_cast %swap3A_383 : vector<1x16xf32> to vector<16xf32>
        %swap3A_385 = vector.shape_cast %get3A_380 : vector<16xf32> to vector<1x16xf32>
        tpu.vector_store %arg10[%swap3A_381, %swap3A_382], %swap3A_385 {add = true, strides = array<i32>} : memref<200x64xf32, #tpu.memory_space<vmem>>, vector<1x16xf32>,
      }
      %scan3A_281 = arith.constant 200 : i32
      %add3A_282 = arith.addi %mul3A_2, %add3A_238 : i32
      %dma_start3A_283 = arith.constant 0 : i32
      %dma_start3A_284 = arith.constant 0 : i32
      %dma_start3A_285 = tpu.memref_slice %arg5[%add3A_282, %dma_start3A_283, %dma_start3A_284] : memref<4096x200x64xf32, #tpu.memory_space<hbm>> -> memref<1x200x64xf32, #tpu.memory_space<hbm>>
      %dma_start3A_286 = tpu.memref_squeeze %dma_start3A_285 : memref<1x200x64xf32, #tpu.memory_space<hbm>> -> memref<200x64xf32, #tpu.memory_space<hbm>>
      %dma_start3A_287 = arith.constant 0 : i32
      %dma_start3A_288 = arith.constant 0 : i32
      %dma_start3A_289 = tpu.memref_slice %arg5[%add3A_282, %dma_start3A_287, %dma_start3A_288] : memref<4096x200x64xf32, #tpu.memory_space<hbm>> -> memref<1x200x64xf32, #tpu.memory_space<hbm>>
      %dma_start3A_290 = tpu.memref_squeeze %dma_start3A_289 : memref<1x200x64xf32, #tpu.memory_space<hbm>> -> memref<200x64xf32, #tpu.memory_space<hbm>>
      tpu.enqueue_dma source(%arg10 : memref<200x64xf32, #tpu.memory_space<vmem>>) target(%dma_start3A_290 : memref<200x64xf32, #tpu.memory_space<hbm>>) target_semaphore(%arg18 : memref<!tpu.dma_semaphore, #tpu.memory_space<semaphore_mem>>)
      %mul3A_291 = arith.constant 4 : i32
      %mul3A_292 = arith.muli %add3A_127, %mul3A_291 : i32
      %add3A_293 = arith.constant 3 : i32
      %add3A_294 = arith.addi %mul3A_292, %add3A_293 : i32
      %ge3A_295 = arith.constant 1 : i32
      %ge3A_296 = arith.cmpi sge, %add3A_294, %ge3A_295 : i32
      %le3A_297 = arith.constant 124 : i32
      %le3A_298 = arith.cmpi sle, %add3A_294, %le3A_297 : i32
      %and3A_299 = arith.andi %ge3A_296, %le3A_298 : i1
      %convert_element_type3A_300 = arith.extui %and3A_299 : i1 to i32
      %cond3A_301 = arith.constant 0 : i32
      %cond3A_302 = arith.cmpi ne, %convert_element_type3A_300, %cond3A_301 : i32
      scf.if %cond3A_302 {
        %dma_wait3A_347 = arith.constant 0 : i32
        %dma_wait3A_348 = arith.constant 0 : i32
        %dma_wait3A_349 = arith.constant 0 : i32
        %dma_wait3A_350 = tpu.memref_slice %arg5[%dma_wait3A_347, %dma_wait3A_348, %dma_wait3A_349] : memref<4096x200x64xf32, #tpu.memory_space<hbm>> -> memref<1x200x64xf32, #tpu.memory_space<hbm>>
        %dma_wait3A_351 = tpu.memref_squeeze %dma_wait3A_350 : memref<1x200x64xf32, #tpu.memory_space<hbm>> -> memref<200x64xf32, #tpu.memory_space<hbm>>
        %dma_wait3A_352 = arith.constant 0 : i32
        %dma_wait3A_353 = arith.constant 0 : i32
        %dma_wait3A_354 = tpu.memref_slice %arg5[%dma_wait3A_347, %dma_wait3A_352, %dma_wait3A_353] : memref<4096x200x64xf32, #tpu.memory_space<hbm>> -> memref<1x200x64xf32, #tpu.memory_space<hbm>>
        %dma_wait3A_355 = tpu.memref_squeeze %dma_wait3A_354 : memref<1x200x64xf32, #tpu.memory_space<hbm>> -> memref<200x64xf32, #tpu.memory_space<hbm>>
        tpu.wait_dma2 semaphore(%arg18 : memref<!tpu.dma_semaphore, #tpu.memory_space<semaphore_mem>>) src(%arg10 : memref<200x64xf32, #tpu.memory_space<vmem>>) dst(%dma_wait3A_355 : memref<200x64xf32, #tpu.memory_space<hbm>>)
        %add3A_356 = arith.constant 4 : i32
        %add3A_357 = arith.addi %add3A_294, %add3A_356 : i32
        %sub3A = arith.constant 1 : i32
        %sub3A_358 = arith.subi %add3A_357, %sub3A : i32
        %mul3A_359 = arith.constant 2 : i32
        %mul3A_360 = arith.muli %sub3A_358, %mul3A_359 : i32
        %add3A_361 = arith.constant 0 : i32
        %add3A_362 = arith.addi %mul3A_360, %add3A_361 : i32
        %dma_start3A_363 = arith.constant 0 : i32
        %dma_start3A_364 = arith.constant 0 : i32
        %dma_start3A_365 = tpu.memref_slice %arg10[%dma_start3A_363, %dma_start3A_364] : memref<200x64xf32, #tpu.memory_space<vmem>> -> memref<100x64xf32, #tpu.memory_space<vmem>>
        %dma_start3A_366 = arith.constant 0 : i32
        %dma_start3A_367 = tpu.memref_slice %arg6[%add3A_362, %dma_start3A_366] : memref<256x100xi32, #tpu.memory_space<vmem>> -> memref<1x100xi32, #tpu.memory_space<vmem>>
        %dma_start3A_368 = tpu.memref_squeeze %dma_start3A_367 : memref<1x100xi32, #tpu.memory_space<vmem>> -> memref<100xi32, #tpu.memory_space<vmem>>
        %dma_start3A_369 = arith.constant 0 : i32
        %dma_start3A_370 = arith.constant 0 : i32
        %dma_start3A_371 = tpu.memref_slice %arg3[%dma_start3A_369, %dma_start3A_370] : memref<1000000x64xf32, #tpu.memory_space<hbm>> -> memref<1000000x64xf32, #tpu.memory_space<hbm>>
        tpu.enqueue_indirect_dma source(%dma_start3A_371 : memref<1000000x64xf32, #tpu.memory_space<hbm>>) target(%dma_start3A_365 : memref<100x64xf32, #tpu.memory_space<vmem>>) offsets(%dma_start3A_368 : memref<100xi32, #tpu.memory_space<vmem>>) semaphore(%arg14 : memref<!tpu.dma_semaphore, #tpu.memory_space<semaphore_mem>>)
        %mul3A_372 = arith.constant 2 : i32
        %mul3A_373 = arith.muli %sub3A_358, %mul3A_372 : i32
        %add3A_374 = arith.constant 1 : i32
        %add3A_375 = arith.addi %mul3A_373, %add3A_374 : i32
        %dma_start3A_376 = arith.constant 100 : i32
        %dma_start3A_377 = arith.constant 0 : i32
        %dma_start3A_378 = tpu.memref_slice %arg10[%dma_start3A_376, %dma_start3A_377] : memref<200x64xf32, #tpu.memory_space<vmem>> -> memref<100x64xf32, #tpu.memory_space<vmem>>
        %dma_start3A_379 = arith.constant 0 : i32
        %dma_start3A_380 = tpu.memref_slice %arg6[%add3A_375, %dma_start3A_379] : memref<256x100xi32, #tpu.memory_space<vmem>> -> memref<1x100xi32, #tpu.memory_space<vmem>>
        %dma_start3A_381 = tpu.memref_squeeze %dma_start3A_380 : memref<1x100xi32, #tpu.memory_space<vmem>> -> memref<100xi32, #tpu.memory_space<vmem>>
        %dma_start3A_382 = arith.constant 0 : i32
        %dma_start3A_383 = arith.constant 0 : i32
        %dma_start3A_384 = tpu.memref_slice %arg3[%dma_start3A_382, %dma_start3A_383] : memref<1000000x64xf32, #tpu.memory_space<hbm>> -> memref<1000000x64xf32, #tpu.memory_space<hbm>>
        tpu.enqueue_indirect_dma source(%dma_start3A_384 : memref<1000000x64xf32, #tpu.memory_space<hbm>>) target(%dma_start3A_378 : memref<100x64xf32, #tpu.memory_space<vmem>>) offsets(%dma_start3A_381 : memref<100xi32, #tpu.memory_space<vmem>>) semaphore(%arg14 : memref<!tpu.dma_semaphore, #tpu.memory_space<semaphore_mem>>)
      } else {
      }
      %dma_wait3A_303 = arith.constant 0 : i32
      %dma_wait3A_304 = arith.constant 0 : i32
      %dma_wait3A_305 = arith.constant 0 : i32
      %dma_wait3A_306 = tpu.memref_slice %arg11[%dma_wait3A_304, %dma_wait3A_305] : memref<200x64xf32, #tpu.memory_space<vmem>> -> memref<100x64xf32, #tpu.memory_space<vmem>>
      %dma_wait3A_307 = arith.constant 0 : i32
      %dma_wait3A_308 = arith.constant 0 : i32
      %dma_wait3A_309 = tpu.memref_slice %arg5[%dma_wait3A_303, %dma_wait3A_307, %dma_wait3A_308] : memref<4096x200x64xf32, #tpu.memory_space<hbm>> -> memref<1x100x64xf32, #tpu.memory_space<hbm>>
      %dma_wait3A_310 = tpu.memref_squeeze %dma_wait3A_309 : memref<1x100x64xf32, #tpu.memory_space<hbm>> -> memref<100x64xf32, #tpu.memory_space<hbm>>
      %dma_wait3A_311 = arith.constant 0 : i32
      %dma_wait3A_312 = arith.constant 0 : i32
      %dma_wait3A_313 = tpu.memref_slice %arg11[%dma_wait3A_311, %dma_wait3A_312] : memref<200x64xf32, #tpu.memory_space<vmem>> -> memref<100x64xf32, #tpu.memory_space<vmem>>
      %dma_wait3A_314 = arith.constant 0 : i32
      %dma_wait3A_315 = arith.constant 0 : i32
      %dma_wait3A_316 = tpu.memref_slice %arg5[%dma_wait3A_303, %dma_wait3A_314, %dma_wait3A_315] : memref<4096x200x64xf32, #tpu.memory_space<hbm>> -> memref<1x100x64xf32, #tpu.memory_space<hbm>>
      %dma_wait3A_317 = tpu.memref_squeeze %dma_wait3A_316 : memref<1x100x64xf32, #tpu.memory_space<hbm>> -> memref<100x64xf32, #tpu.memory_space<hbm>>
      tpu.wait_dma2 semaphore(%arg15 : memref<!tpu.dma_semaphore, #tpu.memory_space<semaphore_mem>>) src(%dma_wait3A_317 : memref<100x64xf32, #tpu.memory_space<hbm>>) dst(%dma_wait3A_313 : memref<100x64xf32, #tpu.memory_space<vmem>>)
      %dma_wait3A_318 = arith.constant 0 : i32
      %dma_wait3A_319 = arith.constant 0 : i32
      %dma_wait3A_320 = arith.constant 0 : i32
      %dma_wait3A_321 = tpu.memref_slice %arg11[%dma_wait3A_319, %dma_wait3A_320] : memref<200x64xf32, #tpu.memory_space<vmem>> -> memref<100x64xf32, #tpu.memory_space<vmem>>
      %dma_wait3A_322 = arith.constant 0 : i32
      %dma_wait3A_323 = arith.constant 0 : i32
      %dma_wait3A_324 = tpu.memref_slice %arg5[%dma_wait3A_318, %dma_wait3A_322, %dma_wait3A_323] : memref<4096x200x64xf32, #tpu.memory_space<hbm>> -> memref<1x100x64xf32, #tpu.memory_space<hbm>>
      %dma_wait3A_325 = tpu.memref_squeeze %dma_wait3A_324 : memref<1x100x64xf32, #tpu.memory_space<hbm>> -> memref<100x64xf32, #tpu.memory_space<hbm>>
      %dma_wait3A_326 = arith.constant 0 : i32
      %dma_wait3A_327 = arith.constant 0 : i32
      %dma_wait3A_328 = tpu.memref_slice %arg11[%dma_wait3A_326, %dma_wait3A_327] : memref<200x64xf32, #tpu.memory_space<vmem>> -> memref<100x64xf32, #tpu.memory_space<vmem>>
      %dma_wait3A_329 = arith.constant 0 : i32
      %dma_wait3A_330 = arith.constant 0 : i32
      %dma_wait3A_331 = tpu.memref_slice %arg5[%dma_wait3A_318, %dma_wait3A_329, %dma_wait3A_330] : memref<4096x200x64xf32, #tpu.memory_space<hbm>> -> memref<1x100x64xf32, #tpu.memory_space<hbm>>
      %dma_wait3A_332 = tpu.memref_squeeze %dma_wait3A_331 : memref<1x100x64xf32, #tpu.memory_space<hbm>> -> memref<100x64xf32, #tpu.memory_space<hbm>>
      tpu.wait_dma2 semaphore(%arg15 : memref<!tpu.dma_semaphore, #tpu.memory_space<semaphore_mem>>) src(%dma_wait3A_332 : memref<100x64xf32, #tpu.memory_space<hbm>>) dst(%dma_wait3A_328 : memref<100x64xf32, #tpu.memory_space<vmem>>)
      %scan3A_333 = arith.constant 0 : i32
      %scan3A_334 = arith.constant 200 : i32
      %scan3A_335 = arith.addi %scan3A_333, %scan3A_334 : i32
      %scan3A_336 = arith.constant 1 : i32
      scf.for %scan3A_347 = %scan3A_333 to %scan3A_335 step %scan3A_336  : i32 {
        %mul3A_348 = arith.constant 1 : i32
        %mul3A_349 = arith.muli %scan3A_347, %mul3A_348 : i32
        %add3A_350 = arith.constant 0 : i32
        %add3A_351 = arith.addi %add3A_350, %mul3A_349 : i32
        %get3A = arith.index_cast %add3A_351 : i32 to index
        %get3A_352 = arith.constant 0 : index
        %get3A_353 = tpu.vector_load %arg7[%get3A, %get3A_352] {strides = array<i32>} : memref<200x64xf32, #tpu.memory_space<vmem>>, vector<1x16xf32>,
        %get3A_354 = vector.shape_cast %get3A_353 : vector<1x16xf32> to vector<16xf32>
        %swap3A = arith.index_cast %add3A_351 : i32 to index
        %swap3A_355 = arith.constant 0 : index
        %swap3A_356 = tpu.vector_load %arg11[%swap3A, %swap3A_355] {strides = array<i32>} : memref<200x64xf32, #tpu.memory_space<vmem>>, vector<1x16xf32>,
        %swap3A_357 = vector.shape_cast %swap3A_356 : vector<1x16xf32> to vector<16xf32>
        %swap3A_358 = vector.shape_cast %get3A_354 : vector<16xf32> to vector<1x16xf32>
        tpu.vector_store %arg11[%swap3A, %swap3A_355], %swap3A_358 {add = true, strides = array<i32>} : memref<200x64xf32, #tpu.memory_space<vmem>>, vector<1x16xf32>,
        %get3A_359 = arith.index_cast %add3A_351 : i32 to index
        %get3A_360 = arith.constant 16 : index
        %get3A_361 = tpu.vector_load %arg7[%get3A_359, %get3A_360] {strides = array<i32>} : memref<200x64xf32, #tpu.memory_space<vmem>>, vector<1x16xf32>,
        %get3A_362 = vector.shape_cast %get3A_361 : vector<1x16xf32> to vector<16xf32>
        %swap3A_363 = arith.index_cast %add3A_351 : i32 to index
        %swap3A_364 = arith.constant 16 : index
        %swap3A_365 = tpu.vector_load %arg11[%swap3A_363, %swap3A_364] {strides = array<i32>} : memref<200x64xf32, #tpu.memory_space<vmem>>, vector<1x16xf32>,
        %swap3A_366 = vector.shape_cast %swap3A_365 : vector<1x16xf32> to vector<16xf32>
        %swap3A_367 = vector.shape_cast %get3A_362 : vector<16xf32> to vector<1x16xf32>
        tpu.vector_store %arg11[%swap3A_363, %swap3A_364], %swap3A_367 {add = true, strides = array<i32>} : memref<200x64xf32, #tpu.memory_space<vmem>>, vector<1x16xf32>,
        %get3A_368 = arith.index_cast %add3A_351 : i32 to index
        %get3A_369 = arith.constant 32 : index
        %get3A_370 = tpu.vector_load %arg7[%get3A_368, %get3A_369] {strides = array<i32>} : memref<200x64xf32, #tpu.memory_space<vmem>>, vector<1x16xf32>,
        %get3A_371 = vector.shape_cast %get3A_370 : vector<1x16xf32> to vector<16xf32>
        %swap3A_372 = arith.index_cast %add3A_351 : i32 to index
        %swap3A_373 = arith.constant 32 : index
        %swap3A_374 = tpu.vector_load %arg11[%swap3A_372, %swap3A_373] {strides = array<i32>} : memref<200x64xf32, #tpu.memory_space<vmem>>, vector<1x16xf32>,
        %swap3A_375 = vector.shape_cast %swap3A_374 : vector<1x16xf32> to vector<16xf32>
        %swap3A_376 = vector.shape_cast %get3A_371 : vector<16xf32> to vector<1x16xf32>
        tpu.vector_store %arg11[%swap3A_372, %swap3A_373], %swap3A_376 {add = true, strides = array<i32>} : memref<200x64xf32, #tpu.memory_space<vmem>>, vector<1x16xf32>,
        %get3A_377 = arith.index_cast %add3A_351 : i32 to index
        %get3A_378 = arith.constant 48 : index
        %get3A_379 = tpu.vector_load %arg7[%get3A_377, %get3A_378] {strides = array<i32>} : memref<200x64xf32, #tpu.memory_space<vmem>>, vector<1x16xf32>,
        %get3A_380 = vector.shape_cast %get3A_379 : vector<1x16xf32> to vector<16xf32>
        %swap3A_381 = arith.index_cast %add3A_351 : i32 to index
        %swap3A_382 = arith.constant 48 : index
        %swap3A_383 = tpu.vector_load %arg11[%swap3A_381, %swap3A_382] {strides = array<i32>} : memref<200x64xf32, #tpu.memory_space<vmem>>, vector<1x16xf32>,
        %swap3A_384 = vector.shape_cast %swap3A_383 : vector<1x16xf32> to vector<16xf32>
        %swap3A_385 = vector.shape_cast %get3A_380 : vector<16xf32> to vector<1x16xf32>
        tpu.vector_store %arg11[%swap3A_381, %swap3A_382], %swap3A_385 {add = true, strides = array<i32>} : memref<200x64xf32, #tpu.memory_space<vmem>>, vector<1x16xf32>,
      }
      %scan3A_337 = arith.constant 200 : i32
      %add3A_338 = arith.addi %mul3A_2, %add3A_294 : i32
      %dma_start3A_339 = arith.constant 0 : i32
      %dma_start3A_340 = arith.constant 0 : i32
      %dma_start3A_341 = tpu.memref_slice %arg5[%add3A_338, %dma_start3A_339, %dma_start3A_340] : memref<4096x200x64xf32, #tpu.memory_space<hbm>> -> memref<1x200x64xf32, #tpu.memory_space<hbm>>
      %dma_start3A_342 = tpu.memref_squeeze %dma_start3A_341 : memref<1x200x64xf32, #tpu.memory_space<hbm>> -> memref<200x64xf32, #tpu.memory_space<hbm>>
      %dma_start3A_343 = arith.constant 0 : i32
      %dma_start3A_344 = arith.constant 0 : i32
      %dma_start3A_345 = tpu.memref_slice %arg5[%add3A_338, %dma_start3A_343, %dma_start3A_344] : memref<4096x200x64xf32, #tpu.memory_space<hbm>> -> memref<1x200x64xf32, #tpu.memory_space<hbm>>
      %dma_start3A_346 = tpu.memref_squeeze %dma_start3A_345 : memref<1x200x64xf32, #tpu.memory_space<hbm>> -> memref<200x64xf32, #tpu.memory_space<hbm>>
      tpu.enqueue_dma source(%arg11 : memref<200x64xf32, #tpu.memory_space<vmem>>) target(%dma_start3A_346 : memref<200x64xf32, #tpu.memory_space<hbm>>) target_semaphore(%arg19 : memref<!tpu.dma_semaphore, #tpu.memory_space<semaphore_mem>>)
    }
    %scan3A_87 = arith.constant 32 : i32
    %dma_wait3A = arith.constant 0 : i32
    %dma_wait3A_88 = arith.constant 0 : i32
    %dma_wait3A_89 = arith.constant 0 : i32
    %dma_wait3A_90 = tpu.memref_slice %arg5[%dma_wait3A, %dma_wait3A_88, %dma_wait3A_89] : memref<4096x200x64xf32, #tpu.memory_space<hbm>> -> memref<1x200x64xf32, #tpu.memory_space<hbm>>
    %dma_wait3A_91 = tpu.memref_squeeze %dma_wait3A_90 : memref<1x200x64xf32, #tpu.memory_space<hbm>> -> memref<200x64xf32, #tpu.memory_space<hbm>>
    %dma_wait3A_92 = arith.constant 0 : i32
    %dma_wait3A_93 = arith.constant 0 : i32
    %dma_wait3A_94 = tpu.memref_slice %arg5[%dma_wait3A, %dma_wait3A_92, %dma_wait3A_93] : memref<4096x200x64xf32, #tpu.memory_space<hbm>> -> memref<1x200x64xf32, #tpu.memory_space<hbm>>
    %dma_wait3A_95 = tpu.memref_squeeze %dma_wait3A_94 : memref<1x200x64xf32, #tpu.memory_space<hbm>> -> memref<200x64xf32, #tpu.memory_space<hbm>>
    tpu.wait_dma2 semaphore(%arg16 : memref<!tpu.dma_semaphore, #tpu.memory_space<semaphore_mem>>) src(%arg8 : memref<200x64xf32, #tpu.memory_space<vmem>>) dst(%dma_wait3A_95 : memref<200x64xf32, #tpu.memory_space<hbm>>)
    %dma_wait3A_96 = arith.constant 0 : i32
    %dma_wait3A_97 = arith.constant 0 : i32
    %dma_wait3A_98 = arith.constant 0 : i32
    %dma_wait3A_99 = tpu.memref_slice %arg5[%dma_wait3A_96, %dma_wait3A_97, %dma_wait3A_98] : memref<4096x200x64xf32, #tpu.memory_space<hbm>> -> memref<1x200x64xf32, #tpu.memory_space<hbm>>
    %dma_wait3A_100 = tpu.memref_squeeze %dma_wait3A_99 : memref<1x200x64xf32, #tpu.memory_space<hbm>> -> memref<200x64xf32, #tpu.memory_space<hbm>>
    %dma_wait3A_101 = arith.constant 0 : i32
    %dma_wait3A_102 = arith.constant 0 : i32
    %dma_wait3A_103 = tpu.memref_slice %arg5[%dma_wait3A_96, %dma_wait3A_101, %dma_wait3A_102] : memref<4096x200x64xf32, #tpu.memory_space<hbm>> -> memref<1x200x64xf32, #tpu.memory_space<hbm>>
    %dma_wait3A_104 = tpu.memref_squeeze %dma_wait3A_103 : memref<1x200x64xf32, #tpu.memory_space<hbm>> -> memref<200x64xf32, #tpu.memory_space<hbm>>
    tpu.wait_dma2 semaphore(%arg17 : memref<!tpu.dma_semaphore, #tpu.memory_space<semaphore_mem>>) src(%arg9 : memref<200x64xf32, #tpu.memory_space<vmem>>) dst(%dma_wait3A_104 : memref<200x64xf32, #tpu.memory_space<hbm>>)
    %dma_wait3A_105 = arith.constant 0 : i32
    %dma_wait3A_106 = arith.constant 0 : i32
    %dma_wait3A_107 = arith.constant 0 : i32
    %dma_wait3A_108 = tpu.memref_slice %arg5[%dma_wait3A_105, %dma_wait3A_106, %dma_wait3A_107] : memref<4096x200x64xf32, #tpu.memory_space<hbm>> -> memref<1x200x64xf32, #tpu.memory_space<hbm>>
    %dma_wait3A_109 = tpu.memref_squeeze %dma_wait3A_108 : memref<1x200x64xf32, #tpu.memory_space<hbm>> -> memref<200x64xf32, #tpu.memory_space<hbm>>
    %dma_wait3A_110 = arith.constant 0 : i32
    %dma_wait3A_111 = arith.constant 0 : i32
    %dma_wait3A_112 = tpu.memref_slice %arg5[%dma_wait3A_105, %dma_wait3A_110, %dma_wait3A_111] : memref<4096x200x64xf32, #tpu.memory_space<hbm>> -> memref<1x200x64xf32, #tpu.memory_space<hbm>>
    %dma_wait3A_113 = tpu.memref_squeeze %dma_wait3A_112 : memref<1x200x64xf32, #tpu.memory_space<hbm>> -> memref<200x64xf32, #tpu.memory_space<hbm>>
    tpu.wait_dma2 semaphore(%arg18 : memref<!tpu.dma_semaphore, #tpu.memory_space<semaphore_mem>>) src(%arg10 : memref<200x64xf32, #tpu.memory_space<vmem>>) dst(%dma_wait3A_113 : memref<200x64xf32, #tpu.memory_space<hbm>>)
    %dma_wait3A_114 = arith.constant 0 : i32
    %dma_wait3A_115 = arith.constant 0 : i32
    %dma_wait3A_116 = arith.constant 0 : i32
    %dma_wait3A_117 = tpu.memref_slice %arg5[%dma_wait3A_114, %dma_wait3A_115, %dma_wait3A_116] : memref<4096x200x64xf32, #tpu.memory_space<hbm>> -> memref<1x200x64xf32, #tpu.memory_space<hbm>>
    %dma_wait3A_118 = tpu.memref_squeeze %dma_wait3A_117 : memref<1x200x64xf32, #tpu.memory_space<hbm>> -> memref<200x64xf32, #tpu.memory_space<hbm>>
    %dma_wait3A_119 = arith.constant 0 : i32
    %dma_wait3A_120 = arith.constant 0 : i32
    %dma_wait3A_121 = tpu.memref_slice %arg5[%dma_wait3A_114, %dma_wait3A_119, %dma_wait3A_120] : memref<4096x200x64xf32, #tpu.memory_space<hbm>> -> memref<1x200x64xf32, #tpu.memory_space<hbm>>
    %dma_wait3A_122 = tpu.memref_squeeze %dma_wait3A_121 : memref<1x200x64xf32, #tpu.memory_space<hbm>> -> memref<200x64xf32, #tpu.memory_space<hbm>>
    tpu.wait_dma2 semaphore(%arg19 : memref<!tpu.dma_semaphore, #tpu.memory_space<semaphore_mem>>) src(%arg11 : memref<200x64xf32, #tpu.memory_space<vmem>>) dst(%dma_wait3A_122 : memref<200x64xf32, #tpu.memory_space<hbm>>)
    return
  }
}

</mosaic_0001>

<sc_bundles>
// kernel: kernel.3.cloned.1.call-start
scs
__scs_entry_jumppad:
0x0: {  	(pc) =	sbr.rel $0x88, $3  }
0x1: {  	(tag) =	ssettag $0x0;
	lr =	simm.s32 $0x1  }
0x2: {  	[smem:$0x3F9F] =	sst lr;
	_ =	strace $0xD0000000  }
0x3: {  	_ = 	snop  }
0x4: {  	_ = 	snop  }
0x5: {  	_ = 	snop  }
0x6: {  	_ = 	snop  }
0x7: {  	_ = 	snop  }
__scs_overlays_trampoline_lowered:
0x8: {  	[smem:$0x3FAE] =	sst s0  }
0x9: {  	[smem:$0x3FAF] =	sst s1  }
0xa: {  	[smem:$0x3FB0] =	sst s2  }
0xb: {  	[smem:$0x3FB1] =	sst s3  }
0xc: {  	[smem:$0x3FB2] =	sst s4  }
0xd: {  	[smem:$0x3FB3] =	sst s5  }
0xe: {  	[smem:$0x3FB4] =	sst s6  }
0xf: {  	[smem:$0x3FB5] =	sst s7  }
0x10: {  	[smem:$0x3FB6] =	sst s8  }
0x11: {  	[smem:$0x3FB7] =	sst s9;
	s0 =	simm.s32 @!p0 $0x0  }
0x12: {  	s1 =	sld [smem:$0x3F9D];
	s0 =	simm.s32 @p0 $0x1  }
0x13: {  	[smem:$0x3FB8] =	sst s0;
	s0 =	simm.s32 @!p1 $0x0  }
0x14: {  	s2 =	sld [smem:$0x3F9C];
	s0 =	simm.s32 @p1 $0x1  }
0x15: {  	[smem:$0x3FB9] =	sst s0;
	s0 =	simm.s32 @!p2 $0x0  }
0x16: {  	s3 =	sld [smem:$0x3FDB];
	s0 =	simm.s32 @p2 $0x1  }
0x17: {  	s4 =	simm.s32 $0x1BF5;
	[smem:$0x3FBB] =	sst s0  }
0x18: {  	s0 =	sld [smem:$0x3F9E];
	_ =	swait.ge [sflag:s4], $0x0  }
0x19: {  	s7 =	sld [smem:$0x3F9F]  }
0x1a: {  	s8 =	sadd.s32 $0xFFFFE003, lr  }
0x1b: {  	s9 =	sadd.s32 $0xFFFFFEF7, lr;
	s5 =	simm.s32 $0xFFFFFFFF;
	p2 =	slt.u32 s8, $0xFFFFF086  }
0x1c: {  	p1 =	slt.u32 s9, $0xF7A;
	s5 =	simm.s32 @!p2 $0x0  }
0x1d: {  	s5 =	simm.s32 @p1 $0x1;
	p0 =	seq.s32 s7, s2  }
0x1e: {  	s7 =	smul.u32 @!p0 $0xF7A, s2;
	p2 =	seq.s32 @!p0 s5, $0x0  }
0x1f: {  	s9 =	smul.u32 $0xF7A, s1;
	s8 =	simm.s32 @!p0 $0x1BF5;
	p2 =	por !p2, p0  }
0x20: {  	[sflag:s8] =	ssyncset.s32 @!p0 $0xFFFFF086;
	s6 =	sadd.s32 @!p0 s3, s7;
	s7 =	simm.s32 @!p0 $0x108  }
0x21: {  	s3 =	sadd.s32 s3, s9;
	s6 =	sadd.s32 @!p0 $0x88, s6;
	s7 =	simm.s32 @p2 $0x1082  }
0x22: {  	[simem:s7], [sflag:s8] =	dma.local @!p0 [hbm:s6], $0xF7A  }
0x23: {  	s9 =	sor.u32 $0xD0000000, s2;
	s6 =	simm.s32 $0x108;
	_ =	swait.ge @!p0 [sflag:s8], $0x0  }
0x24: {  	s3 =	sadd.s32 $0x88, s3;
	s6 =	simm.s32 @!p1 $0x1082;
	[sflag:s4] =	ssyncset.s32 $0xFFFFF086  }
0x25: {  	[simem:s6], [sflag:s4] =	dma.local [hbm:s3], $0xF7A  }
0x26: {  	[smem:$0x3F9F] =	sst s1;
	(tag) =	ssettag s2;
	_ =	strace s9  }
0x27: {  	s1 =	sld [smem:$0x3FAF]  }
0x28: {  	s2 =	sld [smem:$0x3FB0]  }
0x29: {  	s4 =	sld [smem:$0x3FB2]  }
0x2a: {  	p0 =	seq.s32 s5, $0x0;
	s5 =	sld [smem:$0x3FB3]  }
0x2b: {  	s6 =	sld [smem:$0x3FB4]  }
0x2c: {  	s7 =	sld [smem:$0x3FB5]  }
0x2d: {  	s3 =	simm.s32 $0x108;
	s8 =	sld [smem:$0x3FB6]  }
0x2e: {  	s3 =	simm.s32 @!p0 $0x1082;
	s9 =	sld [smem:$0x3FB7]  }
0x2f: {  	lr =	sadd.s32 s0, s3;
	s0 =	sld [smem:$0x3FAE]  }
0x30: {  	s3 =	sld [smem:$0x3FB1]  }
0x31: {  	[smem:$0x3FBA] =	sst s10  }
0x32: {  	s10 =	sld [smem:$0x3FB8];
	_ =	sdelay $0x3  }
0x33: {  	p0 =	seq.s32 s10, $0x1;
	s10 =	sld [smem:$0x3FBA];
	_ =	sdelay $0x3  }
0x34: {  	[smem:$0x3FBA] =	sst s10  }
0x35: {  	s10 =	sld [smem:$0x3FB9];
	_ =	sdelay $0x3  }
0x36: {  	p1 =	seq.s32 s10, $0x1;
	s10 =	sld [smem:$0x3FBA];
	_ =	sdelay $0x3  }
0x37: {  	[smem:$0x3FBA] =	sst s10  }
0x38: {  	s10 =	sld [smem:$0x3FBB]  }
0x39: {  	_ = 	snop;
	(pc) =	sbr.ind lr, $3  }
0x3a: {  	_ = 	snop  }
0x3b: {  	_ = 	snop  }
0x3c: {  	p2 =	seq.s32 s10, $0x1;
	s10 =	sld [smem:$0x3FBA]  }
0x3d: {  	_ =	shalt  }
0x3e: {  	_ =	shalt  }
0x3f: {  	_ =	shalt  }
0x40: {  	_ =	shalt  }
0x41: {  	_ =	shalt  }
0x42: {  	_ =	shalt  }
0x43: {  	_ =	shalt  }
0x44: {  	_ =	shalt  }
0x45: {  	_ =	shalt  }
0x46: {  	_ =	shalt  }
0x47: {  	_ =	shalt  }
0x48: {  	_ =	shalt  }
0x49: {  	_ =	shalt  }
0x4a: {  	_ =	shalt  }
0x4b: {  	_ =	shalt  }
0x4c: {  	_ =	shalt  }
0x4d: {  	_ =	shalt  }
0x4e: {  	_ =	shalt  }
0x4f: {  	_ =	shalt  }
0x50: {  	_ =	shalt  }
0x51: {  	_ =	shalt  }
0x52: {  	_ =	shalt  }
0x53: {  	_ =	shalt  }
0x54: {  	_ =	shalt  }
0x55: {  	_ =	shalt  }
0x56: {  	_ =	shalt  }
0x57: {  	_ =	shalt  }
0x58: {  	_ =	shalt  }
0x59: {  	_ =	shalt  }
0x5a: {  	_ =	shalt  }
0x5b: {  	_ =	shalt  }
0x5c: {  	_ =	shalt  }
0x5d: {  	_ =	shalt  }
0x5e: {  	_ =	shalt  }
0x5f: {  	_ =	shalt  }
0x60: {  	_ =	shalt  }
0x61: {  	_ =	shalt  }
0x62: {  	_ =	shalt  }
0x63: {  	_ =	shalt  }
0x64: {  	_ =	shalt  }
0x65: {  	_ =	shalt  }
0x66: {  	_ =	shalt  }
0x67: {  	_ =	shalt  }
0x68: {  	_ =	shalt  }
0x69: {  	_ =	shalt  }
0x6a: {  	_ =	shalt  }
0x6b: {  	_ =	shalt  }
0x6c: {  	_ =	shalt  }
0x6d: {  	_ =	shalt  }
0x6e: {  	_ =	shalt  }
0x6f: {  	_ =	shalt  }
0x70: {  	_ =	shalt  }
0x71: {  	_ =	shalt  }
0x72: {  	_ =	shalt  }
0x73: {  	_ =	shalt  }
0x74: {  	_ =	shalt  }
0x75: {  	_ =	shalt  }
0x76: {  	_ =	shalt  }
0x77: {  	_ =	shalt  }
0x78: {  	_ =	shalt  }
0x79: {  	_ =	shalt  }
0x7a: {  	_ =	shalt  }
0x7b: {  	_ =	shalt  }
0x7c: {  	_ =	shalt  }
0x7d: {  	_ =	shalt  }
0x7e: {  	_ =	shalt  }
0x7f: {  	_ =	shalt  }
0x80: {  	_ =	shalt  }
0x81: {  	_ =	shalt  }
0x82: {  	_ =	shalt  }
0x83: {  	_ =	shalt  }
0x84: {  	_ =	shalt  }
0x85: {  	_ =	shalt  }
0x86: {  	_ =	shalt  }
0x87: {  	_ =	shalt  }
.Lfunc_end0:
.L_simem_size_0:
called_computation.1_lowered:
.L_overlay_start_0:
0x88: {  	s2 =	sld [smem:$0x3FD9]  }
0x89: {  	s3 =	sld [smem:$0x3FFE];
	_ =	sdelay $0x1  }
0x8a: {  	s1 =	srdreg.scid  }
0x8b: {  	s0 =	sand.u32 $0x1, s1  }
0x8c: {  	s17 =	sshll.u32 s0, $0xA;
	s2 =	sadd.s32 s3, s2  }
0x8d: {  	s2 =	sadd.s32 s2, s17  }
0x8e: {  	[smem:$0x3FC6] =	sst s2  }
0x8f: {  	_ = 	snop  }
0x90: {  	s2 =	sld [smem:$0x3FD0];
	(tm) =	ssettm $0x1  }
0x91: {  	s18 =	sld [smem:$0x3FFB];
	_ =	sdelay $0x3  }
0x92: {  	_ =	strace s18  }
0x93: {  	s3 =	sld [smem:$0x3FFC];
	_ =	sdelay $0x3  }
0x94: {  	_ =	strace s3  }
0x95: {  	s3 =	sld [smem:$0x3FFD];
	_ =	sdelay $0x3  }
0x96: {  	_ =	strace s3  }
0x97: {  	_ =	strace $0x8FFFFFFF  }
0x98: {  	s19 =	sld [smem:$0x3FDB];
	_ =	sdelay $0x1  }
0x99: {  	s4 =	simm.s32 $_scs_section_size  }
0x9a: {  	s5 =	simm.s32 $_size__tile_overlayer_lowered;
	s6 =	simm.s32 $_tile_overlayer_lowered  }
0x9b: {  	s22 =	simm.s32 $0x1BFF;
	s21 =	sshll.u32 s6, $0x1;
	s3 =	sadd.s32 s4, s19  }
0x9c: {  	s7 =	simm.s32 $0x0;
	s20 =	sshll.u32 s5, $0x1;
	s5 =	sadd.s32 s21, s3  }
0x9d: {  	[timem:s7], [sflag:s22] =	dma.local [hbm:s5], s20  }
0x9e: {  	_ =	swait.ge [sflag:s22], s20  }
0x9f: {  	s4 =	ssub.s32 $0x0, s20;
	[sflag:s22] =	ssyncset.done $0x0  }
0xa0: {  	[sflag:s22] =	ssyncadd.s32 s4;
	_ =	sdelay $0x1  }
0xa1: {  	s23 =	simm.s32 $0x1B8B  }
0xa2: {  	_ =	swait.ge [sflag:s23], $0x1  }
0xa3: {  	[sflag:s23] =	ssyncset.done $0x0  }
0xa4: {  	s25 =	simm.s32 $0x1B8E;
	s24 =	sld [smem:$0x3FFE];
	[sflag:s23] =	ssyncadd.s32 $0xFFFFFFFF  }
0xa5: {  	s26 =	simm.s32 $execute0_lowered;
	[smem:$0x3FD2] =	sst s25  }
0xa6: {  	s5 =	sshll.u32 s26, $0x1;
	_ =	strace $0x80000046;
	[dreg:$0x1] =	wrdreg $0xFFFFFFFF  }
0xa7: {  	s28 =	simm.s32 $_size_execute0_lowered;
	s3 =	sadd.s32 s3, s5;
	[dreg:$0x0] =	wrdreg $0x0  }
0xa8: {  	s5 =	sshll.u32 s28, $0x1;
	[dreg:$0x2] =	wrdreg s3  }
0xa9: {  	[dreg:$0x3] =	wrdreg s5  }
0xaa: {  	[dreg:$0x4] =	wrdreg $0xC0  }
0xab: {  	_ =	task [dreg:s7], $0x5FFFF  }
0xac: {  	[dreg:$0x1] =	wrdreg $0xFFFFFFFF  }
0xad: {  	[dreg:$0x0] =	wrdreg $0x60  }
0xae: {  	[dreg:$0x2] =	wrdreg s24  }
0xaf: {  	[dreg:$0x3] =	wrdreg s2  }
0xb0: {  	[dreg:$0x4] =	wrdreg $0x9  }
0xb1: {  	_ =	task.clear_ibuf [dreg:s7], $0x5FFFF;
	_ =	strace $0x90000046  }
0xb2: {  	s29 =	simm.s32 $0x9;
	_ =	strace $0x80000048  }
0xb3: {  	_ =	swait.ge [sflag:s29], $0x1  }
0xb4: {  	[sflag:s29] =	ssyncadd.s32 $0xFFFFFFFF  }
0xb5: {  	_ =	strace $0x90000048  }
0xb6: {  	_ =	sfence  }
0xb7: {  	s30 =	sld [smem:$0x0];
	_ =	sdelay $0x2  }
0xb8: {  	s31 =	sshll.u32 s1, $0xD;
	s1 =	sshrl.u32 s1, $0x2  }
0xb9: {  	s3 =	sand.u32 $0x4000, s31;
	s1 =	sadd.s32 s1, s30  }
0xba: {  	s0 =	sor.u32 s3, s0;
	s1 =	sshll.u32 s1, $0x11  }
0xbb: {  	s0 =	sor.u32 s1, s0  }
0xbc: {  	s0 =	sadd.s32 $0x8F2B, s0  }
0xbd: {  	[sflag:s0] =	ssyncadd.remote.s32 $0x1  }
0xbe: {  	_ =	sfence.sel $0xFFFF  }
0xbf: {  	[dreg:$0x0] =	wrdreg $0xFFFFFFFF;
	(pc) =	sbr.abs _section_cstart, $3  }
0xc0: {  	[dreg:$0x1] =	wrdreg $0xFFFFFFFF  }
0xc1: {  	_ =	task.clear_ibuf [dreg:s7], $0x2FFFF;
	_ =	strace $0x9FFFFFFF  }
0xc2: {  	(tm) =	ssettm $0x7FFFFFFF  }
0xc3: {  	_ =	shalt  }
tec
execute0_lowered:
.L_overlay_start_1:
0x0: {  	(tag) =	ssettag $0x1  }
0x1: {  	s0 =	srdreg.scid  }
0x2: {  	s2 =	stileid.u32;
	s1 =	rddreg [dreg:$0x0];
	s9 =	simm.s32 $0x9  }
0x3: {  	s11 =	simm.s32 $0x64;
	s12 =	simm.s32 $0x9A00;
	s16 =	simm.s32 $0xCC00  }
0x4: {  	s20 =	simm.s32 $0xFE00;
	s24 =	simm.s32 $0x13000;
	s25 =	simm.s32 $0x2D8  }
0x5: {  	s26 =	simm.s32 $0x14900;
	s28 =	simm.s32 $0x1;
	s29 =	simm.s32 $0x2  }
0x6: {  	s30 =	simm.s32 $0x3;
	s31 =	simm.s32 $0x4;
	s10 =	simm.s32 $0x7  }
0x7: {  	s13 =	simm.s32 $0x8;
	s14 =	simm.s32 $0x0;
	s0 =	sand.u32 $0x1, s0  }
0x8: {  	s3 =	sshll.u32 s2, $0x1;
	s2 =	rddreg [dreg:$0x1];
	s5 =	sadd.s32 $0x1AC00, s1  }
0x9: {  	s6 =	sor.u32 s0, s3;
	s3 =	simm.s32 $0x0;
	s0 =	ssub.s32 $0x2, s0  }
0xa: {  	s4 =	smul.u32 $0xD00, s6;
	[smem:$0x7FF] =	sst s3;
	s8 =	sshrl.u32 s0, $0x1  }
0xb: {  	s6 =	sshll.u32 s6, $0x7;
	_ =	strace $0x80000047;
	s0 =	ssub.s32 s0, s8  }
0xc: {  	s7 =	sadd.s32 s4, s1;
	s4 =	sadd.s32 $0xF43000, s1;
	s8 =	smax.u32 s0, $0x1  }
0xd: {  	s1 =	simm.s32 $0x5;
	s0 =	simm.s32 $0x6;
	s7 =	sadd.s32 $0xC00, s7  }
.LBB2_1:
0xe: {  	[tilespmem:s3], [sflag:$0x9] =	stream.linear.gather [hbm4b:s7+s3], $0x6800, $0x38;
	[tilespmem:$0x16200] =	vst v63  }
0xf: {  	_ =	swait.ge [sflag:s9], $0x6800  }
0x10: {  	[sflag:s9] =	ssyncset.done $0x0  }
0x11: {  	s15 =	simm.s32 $0x6800;
	[sflag:s9] =	ssyncadd.s32 $0xFFFF9800  }
0x12: {  	[tilespmem:s15], [sflag:$0x9] =	stream.linear.gather [hbm4b:s5+s3], $0x3200, $0x38;
	[tilespmem:$0x16200] =	vst v63  }
0x13: {  	_ =	swait.ge [sflag:s9], $0x3200  }
0x14: {  	[sflag:s9] =	ssyncset.done $0x0  }
0x15: {  	[sflag:s9] =	ssyncadd.s32 $0xFFFFCE00  }
0x16: {  	[tilespmem:s12], [sflag:$0x1] =	stream.indirect.gather [hbm4b:s4+s11], $0x40, s3, s11, $0xb8;
	[tilespmem:$0x16200] =	vst v63  }
0x17: {  	s22 =	simm.s32 $0x68;
	s17 =	simm.s32 $0xB300  }
0x18: {  	[tilespmem:s17], [sflag:$0x1] =	stream.indirect.gather [hbm4b:s4+s11], $0x40, s22, s11, $0xb8;
	[tilespmem:$0x16200] =	vst v63  }
0x19: {  	s23 =	simm.s32 $0xD0  }
0x1a: {  	[tilespmem:s16], [sflag:$0x2] =	stream.indirect.gather [hbm4b:s4+s11], $0x40, s23, s11, $0xb8;
	[tilespmem:$0x16200] =	vst v63  }
0x1b: {  	s18 =	simm.s32 $0xE500;
	s17 =	simm.s32 $0x138  }
0x1c: {  	[tilespmem:s18], [sflag:$0x2] =	stream.indirect.gather [hbm4b:s4+s11], $0x40, s17, s11, $0xb8;
	[tilespmem:$0x16200] =	vst v63  }
0x1d: {  	s19 =	simm.s32 $0x1A0  }
0x1e: {  	[tilespmem:s20], [sflag:$0x3] =	stream.indirect.gather [hbm4b:s4+s11], $0x40, s19, s11, $0xb8;
	[tilespmem:$0x16200] =	vst v63  }
0x1f: {  	s21 =	simm.s32 $0x208;
	s22 =	simm.s32 $0x11700  }
0x20: {  	[tilespmem:s22], [sflag:$0x3] =	stream.indirect.gather [hbm4b:s4+s11], $0x40, s21, s11, $0xb8;
	[tilespmem:$0x16200] =	vst v63  }
0x21: {  	s23 =	simm.s32 $0x270  }
0x22: {  	[tilespmem:s24], [sflag:$0x4] =	stream.indirect.gather [hbm4b:s4+s11], $0x40, s23, s11, $0xb8;
	[tilespmem:$0x16200] =	vst v63  }
0x23: {  	s15 =	simm.s32 $0x0  }
0x24: {  	[tilespmem:s26], [sflag:$0x4] =	stream.indirect.gather [hbm4b:s4+s11], $0x40, s25, s11, $0xb8;
	[tilespmem:$0x16200] =	vst v63  }
.LBB2_2:
0x25: {  	s17 =	sshll.u32 s15, $0x2  }
0x26: {  	s18 =	sadd.s32 $0xFFFFFFFC, s17  }
0x27: {  	p0 =	sgt.u32 s18, $0x7B  }
0x28: {  	s18 =	simm.s32 @!p0 $0x8  }
0x29: {  	s19 =	smul.u32 @!p0 $0xD00, s15;
	_ =	swait.ge @!p0 [sflag:s18], $0x3200  }
0x2a: {  	[sflag:s18] =	ssyncset.done @!p0 $0x0  }
0x2b: {  	[sflag:s18] =	ssyncadd.s32 @!p0 $0xFFFFCE00;
	s18 =	sshra.s32 @!p0 s19, $0x2  }
0x2c: {  	s21 =	simm.s32 @!p0 $0x64;
	s22 =	simm.s32 @!p0 $0x13000;
	s19 =	sadd.s32 @!p0 $0x270, s18  }
0x2d: {  	[tilespmem:s22], [sflag:$0x4] =	stream.indirect.gather @!p0 [hbm4b:s4+s21], $0x40, s19, s21, $0xb8;
	[tilespmem:$0x16200] =	vst v63  }
0x2e: {  	s18 =	sadd.s32 @!p0 $0x2D8, s18;
	s19 =	simm.s32 @!p0 $0x14900  }
0x2f: {  	[tilespmem:s19], [sflag:$0x4] =	stream.indirect.gather @!p0 [hbm4b:s4+s21], $0x40, s18, s21, $0xb8;
	[tilespmem:$0x16200] =	vst v63  }
0x30: {  	_ =	swait.ge [sflag:s28], $0x1900  }
0x31: {  	[sflag:s28] =	ssyncset.done $0x0  }
0x32: {  	[sflag:s28] =	ssyncadd.s32 $0xFFFFE700  }
0x33: {  	_ =	swait.ge [sflag:s28], $0x1900  }
0x34: {  	[sflag:s28] =	ssyncset.done $0x0  }
0x35: {  	s18 =	simm.s32 $0x0;
	[sflag:s28] =	ssyncadd.s32 $0xFFFFE700  }
0x36: {  	v1 =	vld [tilespmem:s18+$0x6830]  }
0x37: {  	v2 =	vld [tilespmem:s18+$0x6800]  }
0x38: {  	v3 =	vld [tilespmem:s18+$0x6810]  }
0x39: {  	v0 =	vld [tilespmem:s18+$0x6820];
	_ =	sdelay $0x1  }
0x3a: {  	[tilespmem:s18+$0x9A30] =	vst.add.f32.msk $0xffff, v1  }
0x3b: {  	[tilespmem:s18+$0x9A00] =	vst.add.f32.msk $0xffff, v2  }
0x3c: {  	s19 =	simm.s32 $0x40;
	s21 =	simm.s32 $0x200;
	[tilespmem:s18+$0x9A10] =	vst.add.f32.msk $0xffff, v3  }
.LBB2_3:
0x3d: {  	p0 =	sne.s32 s21, $0xC700;
	v1 =	vld [tilespmem:s19+$0x6830];
	v2 =	vmov v0  }
0x3e: {  	v3 =	vld [tilespmem:s19+$0x6800]  }
0x3f: {  	v4 =	vld [tilespmem:s19+$0x6810]  }
.Ltmp0:
0x40: {  	v0 =	vld [tilespmem:s19+$0x6820];
	(pc) =	sbr.rel @p0 .LBB2_3-.Ltmp0, $4  }
0x41: {  	[tilespmem:s18+$0x9A20] =	vst.add.f32.msk $0xffff, v2;
	s18 =	smov.u32 s19  }
0x42: {  	[tilespmem:s18+$0x9A30] =	vst.add.f32.msk $0xffff, v1  }
0x43: {  	[tilespmem:s18+$0x9A00] =	vst.add.f32.msk $0xffff, v3  }
0x44: {  	s19 =	sshra.s32 s21, $0x2;
	s21 =	sadd.s32 $0x100, s21;
	[tilespmem:s18+$0x9A10] =	vst.add.f32.msk $0xffff, v4  }
0x45: {  	v1 =	vld [tilespmem:s19+$0x6830]  }
0x46: {  	v2 =	vld [tilespmem:s19+$0x6800]  }
0x47: {  	v3 =	vld [tilespmem:s19+$0x6810]  }
0x48: {  	v4 =	vld [tilespmem:s19+$0x6820]  }
0x49: {  	[tilespmem:s18+$0x9A20] =	vst.add.f32.msk $0xffff, v0  }
0x4a: {  	s23 =	sadd.s32 s6, s17;
	[tilespmem:s19+$0x9A30] =	vst.add.f32.msk $0xffff, v1  }
0x4b: {  	s18 =	smul.u32 $0x640, s23;
	[tilespmem:s19+$0x9A00] =	vst.add.f32.msk $0xffff, v2  }
0x4c: {  	[tilespmem:s19+$0x9A10] =	vst.add.f32.msk $0xffff, v3  }
0x4d: {  	s18 =	sadd.s32 s2, s18;
	[tilespmem:s19+$0x9A20] =	vst.add.f32.msk $0xffff, v4  }
0x4e: {  	[hbm4b:s18+s3] =	stream.linear.scatter [tilespmem:s12], [sflag:$0x5], $0x3200, $0x38;
	[tilespmem:$0x16200] =	vst v63  }
0x4f: {  	s18 =	sor.u32 $0x1, s17  }
0x50: {  	p0 =	sgt.u32 s18, $0x7C  }
0x51: {  	s19 =	simm.s32 @!p0 $0x5  }
0x52: {  	s21 =	smul.u32 @!p0 $0xD00, s15;
	_ =	swait.ge @!p0 [sflag:s19], $0x3200  }
0x53: {  	[sflag:s19] =	ssyncset.done @!p0 $0x0  }
0x54: {  	[sflag:s19] =	ssyncadd.s32 @!p0 $0xFFFFCE00;
	s19 =	sshra.s32 @!p0 s21, $0x2  }
0x55: {  	s22 =	simm.s32 @!p0 $0x64;
	s23 =	simm.s32 @!p0 $0x9A00;
	s21 =	sadd.s32 @!p0 $0x340, s19  }
0x56: {  	[tilespmem:s23], [sflag:$0x1] =	stream.indirect.gather @!p0 [hbm4b:s4+s22], $0x40, s21, s22, $0xb8;
	[tilespmem:$0x16200] =	vst v63  }
0x57: {  	s19 =	sadd.s32 @!p0 $0x3A8, s19;
	s21 =	simm.s32 @!p0 $0xB300  }
0x58: {  	[tilespmem:s21], [sflag:$0x1] =	stream.indirect.gather @!p0 [hbm4b:s4+s22], $0x40, s19, s22, $0xb8;
	[tilespmem:$0x16200] =	vst v63  }
0x59: {  	_ =	swait.ge [sflag:s29], $0x1900  }
0x5a: {  	[sflag:s29] =	ssyncset.done $0x0  }
0x5b: {  	[sflag:s29] =	ssyncadd.s32 $0xFFFFE700  }
0x5c: {  	_ =	swait.ge [sflag:s29], $0x1900  }
0x5d: {  	[sflag:s29] =	ssyncset.done $0x0  }
0x5e: {  	s19 =	simm.s32 $0x0;
	[sflag:s29] =	ssyncadd.s32 $0xFFFFE700  }
0x5f: {  	v1 =	vld [tilespmem:s19+$0x6830]  }
0x60: {  	v2 =	vld [tilespmem:s19+$0x6800]  }
0x61: {  	v3 =	vld [tilespmem:s19+$0x6810]  }
0x62: {  	v0 =	vld [tilespmem:s19+$0x6820];
	_ =	sdelay $0x1  }
0x63: {  	[tilespmem:s19+$0xCC30] =	vst.add.f32.msk $0xffff, v1  }
0x64: {  	[tilespmem:s19+$0xCC00] =	vst.add.f32.msk $0xffff, v2  }
0x65: {  	s21 =	simm.s32 $0x40;
	s22 =	simm.s32 $0x200;
	[tilespmem:s19+$0xCC10] =	vst.add.f32.msk $0xffff, v3  }
.LBB2_5:
0x66: {  	p0 =	sne.s32 s22, $0xC700;
	v1 =	vld [tilespmem:s21+$0x6830];
	v2 =	vmov v0  }
0x67: {  	v3 =	vld [tilespmem:s21+$0x6800]  }
0x68: {  	v4 =	vld [tilespmem:s21+$0x6810]  }
.Ltmp1:
0x69: {  	v0 =	vld [tilespmem:s21+$0x6820];
	(pc) =	sbr.rel @p0 .LBB2_5-.Ltmp1, $4  }
0x6a: {  	[tilespmem:s19+$0xCC20] =	vst.add.f32.msk $0xffff, v2;
	s19 =	smov.u32 s21  }
0x6b: {  	[tilespmem:s19+$0xCC30] =	vst.add.f32.msk $0xffff, v1  }
0x6c: {  	[tilespmem:s19+$0xCC00] =	vst.add.f32.msk $0xffff, v3  }
0x6d: {  	s21 =	sshra.s32 s22, $0x2;
	s22 =	sadd.s32 $0x100, s22;
	[tilespmem:s19+$0xCC10] =	vst.add.f32.msk $0xffff, v4  }
0x6e: {  	v1 =	vld [tilespmem:s21+$0x6830]  }
0x6f: {  	v2 =	vld [tilespmem:s21+$0x6800]  }
0x70: {  	v3 =	vld [tilespmem:s21+$0x6810]  }
0x71: {  	v4 =	vld [tilespmem:s21+$0x6820]  }
0x72: {  	[tilespmem:s19+$0xCC20] =	vst.add.f32.msk $0xffff, v0  }
0x73: {  	s18 =	sadd.s32 s6, s18;
	[tilespmem:s21+$0xCC30] =	vst.add.f32.msk $0xffff, v1  }
0x74: {  	s18 =	smul.u32 $0x640, s18;
	[tilespmem:s21+$0xCC00] =	vst.add.f32.msk $0xffff, v2  }
0x75: {  	[tilespmem:s21+$0xCC10] =	vst.add.f32.msk $0xffff, v3  }
0x76: {  	s18 =	sadd.s32 s2, s18;
	[tilespmem:s21+$0xCC20] =	vst.add.f32.msk $0xffff, v4  }
0x77: {  	[hbm4b:s18+s3] =	stream.linear.scatter [tilespmem:s16], [sflag:$0x6], $0x3200, $0x38;
	[tilespmem:$0x16200] =	vst v63  }
0x78: {  	s18 =	sor.u32 $0x2, s17  }
0x79: {  	p0 =	sgt.u32 s18, $0x7C  }
0x7a: {  	s19 =	simm.s32 @!p0 $0x6  }
0x7b: {  	s21 =	smul.u32 @!p0 $0xD00, s15;
	_ =	swait.ge @!p0 [sflag:s19], $0x3200  }
0x7c: {  	[sflag:s19] =	ssyncset.done @!p0 $0x0  }
0x7d: {  	[sflag:s19] =	ssyncadd.s32 @!p0 $0xFFFFCE00;
	s19 =	sshra.s32 @!p0 s21, $0x2  }
0x7e: {  	s22 =	simm.s32 @!p0 $0x64;
	s23 =	simm.s32 @!p0 $0xCC00;
	s21 =	sadd.s32 @!p0 $0x410, s19  }
0x7f: {  	[tilespmem:s23], [sflag:$0x2] =	stream.indirect.gather @!p0 [hbm4b:s4+s22], $0x40, s21, s22, $0xb8;
	[tilespmem:$0x16200] =	vst v63  }
0x80: {  	s19 =	sadd.s32 @!p0 $0x478, s19;
	s21 =	simm.s32 @!p0 $0xE500  }
0x81: {  	[tilespmem:s21], [sflag:$0x2] =	stream.indirect.gather @!p0 [hbm4b:s4+s22], $0x40, s19, s22, $0xb8;
	[tilespmem:$0x16200] =	vst v63  }
0x82: {  	_ =	swait.ge [sflag:s30], $0x1900  }
0x83: {  	[sflag:s30] =	ssyncset.done $0x0  }
0x84: {  	[sflag:s30] =	ssyncadd.s32 $0xFFFFE700  }
0x85: {  	_ =	swait.ge [sflag:s30], $0x1900  }
0x86: {  	[sflag:s30] =	ssyncset.done $0x0  }
0x87: {  	s19 =	simm.s32 $0x0;
	[sflag:s30] =	ssyncadd.s32 $0xFFFFE700  }
0x88: {  	v1 =	vld [tilespmem:s19+$0x6830]  }
0x89: {  	v2 =	vld [tilespmem:s19+$0x6800]  }
0x8a: {  	v3 =	vld [tilespmem:s19+$0x6810]  }
0x8b: {  	v0 =	vld [tilespmem:s19+$0x6820];
	_ =	sdelay $0x1  }
0x8c: {  	[tilespmem:s19+$0xFE30] =	vst.add.f32.msk $0xffff, v1  }
0x8d: {  	[tilespmem:s19+$0xFE00] =	vst.add.f32.msk $0xffff, v2  }
0x8e: {  	s21 =	simm.s32 $0x40;
	s22 =	simm.s32 $0x200;
	[tilespmem:s19+$0xFE10] =	vst.add.f32.msk $0xffff, v3  }
.LBB2_7:
0x8f: {  	p0 =	sne.s32 s22, $0xC700;
	v1 =	vld [tilespmem:s21+$0x6830];
	v2 =	vmov v0  }
0x90: {  	v3 =	vld [tilespmem:s21+$0x6800]  }
0x91: {  	v4 =	vld [tilespmem:s21+$0x6810]  }
.Ltmp2:
0x92: {  	v0 =	vld [tilespmem:s21+$0x6820];
	(pc) =	sbr.rel @p0 .LBB2_7-.Ltmp2, $4  }
0x93: {  	[tilespmem:s19+$0xFE20] =	vst.add.f32.msk $0xffff, v2;
	s19 =	smov.u32 s21  }
0x94: {  	[tilespmem:s19+$0xFE30] =	vst.add.f32.msk $0xffff, v1  }
0x95: {  	[tilespmem:s19+$0xFE00] =	vst.add.f32.msk $0xffff, v3  }
0x96: {  	s21 =	sshra.s32 s22, $0x2;
	s22 =	sadd.s32 $0x100, s22;
	[tilespmem:s19+$0xFE10] =	vst.add.f32.msk $0xffff, v4  }
0x97: {  	v1 =	vld [tilespmem:s21+$0x6830]  }
0x98: {  	v2 =	vld [tilespmem:s21+$0x6800]  }
0x99: {  	v3 =	vld [tilespmem:s21+$0x6810]  }
0x9a: {  	v4 =	vld [tilespmem:s21+$0x6820]  }
0x9b: {  	[tilespmem:s19+$0xFE20] =	vst.add.f32.msk $0xffff, v0  }
0x9c: {  	s18 =	sadd.s32 s6, s18;
	[tilespmem:s21+$0xFE30] =	vst.add.f32.msk $0xffff, v1  }
0x9d: {  	s18 =	smul.u32 $0x640, s18;
	[tilespmem:s21+$0xFE00] =	vst.add.f32.msk $0xffff, v2  }
0x9e: {  	s17 =	sor.u32 $0x3, s17;
	[tilespmem:s21+$0xFE10] =	vst.add.f32.msk $0xffff, v3  }
0x9f: {  	p0 =	sgt.u32 s17, $0x7C;
	s18 =	sadd.s32 s2, s18;
	[tilespmem:s21+$0xFE20] =	vst.add.f32.msk $0xffff, v4  }
0xa0: {  	[hbm4b:s18+s3] =	stream.linear.scatter [tilespmem:s20], [sflag:$0x7], $0x3200, $0x38;
	[tilespmem:$0x16200] =	vst v63  }
0xa1: {  	s18 =	simm.s32 @!p0 $0x7  }
0xa2: {  	s19 =	smul.u32 @!p0 $0xD00, s15;
	_ =	swait.ge @!p0 [sflag:s18], $0x3200  }
0xa3: {  	[sflag:s18] =	ssyncset.done @!p0 $0x0  }
0xa4: {  	[sflag:s18] =	ssyncadd.s32 @!p0 $0xFFFFCE00;
	s18 =	sshra.s32 @!p0 s19, $0x2  }
0xa5: {  	s22 =	simm.s32 @!p0 $0xFE00;
	s21 =	simm.s32 @!p0 $0x64;
	s19 =	sadd.s32 @!p0 $0x4E0, s18  }
0xa6: {  	[tilespmem:s22], [sflag:$0x3] =	stream.indirect.gather @!p0 [hbm4b:s4+s21], $0x40, s19, s21, $0xb8;
	[tilespmem:$0x16200] =	vst v63  }
0xa7: {  	s18 =	sadd.s32 @!p0 $0x548, s18;
	s19 =	simm.s32 @!p0 $0x11700  }
0xa8: {  	[tilespmem:s19], [sflag:$0x3] =	stream.indirect.gather @!p0 [hbm4b:s4+s21], $0x40, s18, s21, $0xb8;
	[tilespmem:$0x16200] =	vst v63  }
0xa9: {  	_ =	swait.ge [sflag:s31], $0x1900  }
0xaa: {  	[sflag:s31] =	ssyncset.done $0x0  }
0xab: {  	[sflag:s31] =	ssyncadd.s32 $0xFFFFE700  }
0xac: {  	_ =	swait.ge [sflag:s31], $0x1900  }
0xad: {  	[sflag:s31] =	ssyncset.done $0x0  }
0xae: {  	s18 =	simm.s32 $0x0;
	[sflag:s31] =	ssyncadd.s32 $0xFFFFE700  }
0xaf: {  	v1 =	vld [tilespmem:s18+$0x6830]  }
0xb0: {  	v2 =	vld [tilespmem:s18+$0x6800]  }
0xb1: {  	v3 =	vld [tilespmem:s18+$0x6810]  }
0xb2: {  	v0 =	vld [tilespmem:s18+$0x6820];
	_ =	sdelay $0x1  }
0xb3: {  	[tilespmem:s18+$0x13030] =	vst.add.f32.msk $0xffff, v1  }
0xb4: {  	[tilespmem:s18+$0x13000] =	vst.add.f32.msk $0xffff, v2  }
0xb5: {  	s19 =	simm.s32 $0x40;
	s21 =	simm.s32 $0x200;
	[tilespmem:s18+$0x13010] =	vst.add.f32.msk $0xffff, v3  }
.LBB2_9:
0xb6: {  	p0 =	sne.s32 s21, $0xC700;
	v1 =	vld [tilespmem:s19+$0x6830];
	v2 =	vmov v0  }
0xb7: {  	v3 =	vld [tilespmem:s19+$0x6800]  }
0xb8: {  	v4 =	vld [tilespmem:s19+$0x6810]  }
.Ltmp3:
0xb9: {  	v0 =	vld [tilespmem:s19+$0x6820];
	(pc) =	sbr.rel @p0 .LBB2_9-.Ltmp3, $4  }
0xba: {  	[tilespmem:s18+$0x13020] =	vst.add.f32.msk $0xffff, v2;
	s18 =	smov.u32 s19  }
0xbb: {  	[tilespmem:s18+$0x13030] =	vst.add.f32.msk $0xffff, v1  }
0xbc: {  	[tilespmem:s18+$0x13000] =	vst.add.f32.msk $0xffff, v3  }
0xbd: {  	s19 =	sshra.s32 s21, $0x2;
	s21 =	sadd.s32 $0x100, s21;
	[tilespmem:s18+$0x13010] =	vst.add.f32.msk $0xffff, v4  }
0xbe: {  	v1 =	vld [tilespmem:s19+$0x6830]  }
0xbf: {  	v2 =	vld [tilespmem:s19+$0x6800]  }
0xc0: {  	v3 =	vld [tilespmem:s19+$0x6810]  }
0xc1: {  	v4 =	vld [tilespmem:s19+$0x6820];
	s15 =	sadd.s32 $0x1, s15  }
0xc2: {  	[tilespmem:s18+$0x13020] =	vst.add.f32.msk $0xffff, v0;
	p0 =	sne.s32 s15, $0x20  }
.Ltmp4:
0xc3: {  	s17 =	sadd.s32 s6, s17;
	[tilespmem:s19+$0x13030] =	vst.add.f32.msk $0xffff, v1;
	(pc) =	sbr.rel @p0 .LBB2_2-.Ltmp4, $4  }
0xc4: {  	s17 =	smul.u32 $0x640, s17;
	[tilespmem:s19+$0x13000] =	vst.add.f32.msk $0xffff, v2  }
0xc5: {  	[tilespmem:s19+$0x13010] =	vst.add.f32.msk $0xffff, v3  }
0xc6: {  	s17 =	sadd.s32 s2, s17;
	[tilespmem:s19+$0x13020] =	vst.add.f32.msk $0xffff, v4  }
0xc7: {  	[hbm4b:s17+s3] =	stream.linear.scatter [tilespmem:s24], [sflag:$0x8], $0x3200, $0x38;
	[tilespmem:$0x16200] =	vst v63  }
0xc8: {  	_ =	swait.ge [sflag:s1], $0x3200  }
0xc9: {  	[sflag:s1] =	ssyncset.done $0x0  }
0xca: {  	[sflag:s1] =	ssyncadd.s32 $0xFFFFCE00  }
0xcb: {  	_ =	swait.ge [sflag:s0], $0x3200  }
0xcc: {  	[sflag:s0] =	ssyncset.done $0x0  }
0xcd: {  	s14 =	sadd.s32 $0x1, s14;
	[sflag:s0] =	ssyncadd.s32 $0xFFFFCE00  }
0xce: {  	p0 =	sne.s32 s14, s8;
	_ =	swait.ge [sflag:s10], $0x3200  }
.Ltmp5:
0xcf: {  	[sflag:s10] =	ssyncset.done $0x0;
	(pc) =	sbr.rel @p0 .LBB2_1-.Ltmp5, $4  }
0xd0: {  	[sflag:s10] =	ssyncadd.s32 $0xFFFFCE00  }
0xd1: {  	_ =	swait.ge [sflag:s13], $0x3200  }
0xd2: {  	[sflag:s13] =	ssyncset.done $0x0  }
0xd3: {  	[sflag:s13] =	ssyncadd.s32 $0xFFFFCE00  }
0xd4: {  	_ =	sfence.sel $0x180000  }
0xd5: {  	[bflag:$0x0] =	sbarrier.arrive $0xFFFF  }
0xd6: {  	_ =	strace $0x90000047  }
0xd7: {  	s0 =	stileid.u32;
	[bflag:$0x2] =	sbarrier.arrive $0xFFFF  }
0xd8: {  	p0 =	sne.s32 s0, $0x0;
	s0 =	rddreg [dreg:$0x2]  }
0xd9: {  	s0 =	sadd.s32 @!p0 $0x100000, s0  }
0xda: {  	[sflag:s0] =	ssyncadd.tile.s32 @!p0 $0x1;
	_ =	shalt  }
.Lfunc_end2:
_tile_overlayer_lowered:
.L_overlay_start_2:
0xdb: {  	(tag) =	ssettag $0x2  }
0xdc: {  	s0 =	rddreg [dreg:$0x0];
	s2 =	stileid.u32  }
0xdd: {  	s1 =	rddreg [dreg:$0x1];
	p0 =	sne.s32 s2, $0x0  }
0xde: {  	s3 =	rddreg [dreg:$0x2];
	[bflag:$0x3] =	sbarrier.arrive $0xFFFF;
	s2 =	simm.s32 @!p0 $0x1C09  }
0xdf: {  	[timem:s3], [sflag:s2] =	dma.local @!p0 [hbm:s0], s1  }
0xe0: {  	s0 =	simm.s32 @!p0 $0x9  }
0xe1: {  	_ =	swait.ge @!p0 [sflag:s0], s1  }
0xe2: {  	s1 =	ssub.s32 @!p0 $0x0, s1;
	[sflag:s0] =	ssyncset.done @!p0 $0x0  }
0xe3: {  	[sflag:s0] =	ssyncadd.s32 @!p0 s1  }
0xe4: {  	[bflag:$0x3] =	sbarrier.arrive $0xFFFF  }
0xe5: {  	_ =	shalt  }

// kernel: sparse-core-data-format-call.cloned.1.call-start
scs
called_computation_lowered:
.L_overlay_start_0:
0x0: {  	s2 =	sld [smem:$0x3FD9]  }
0x1: {  	s3 =	sld [smem:$0x3FFE];
	_ =	sdelay $0x1  }
0x2: {  	s1 =	srdreg.scid  }
0x3: {  	s0 =	sand.u32 $0x1, s1  }
0x4: {  	s18 =	sshll.u32 s0, $0xA;
	s2 =	sadd.s32 s3, s2  }
0x5: {  	s2 =	sadd.s32 s2, s18  }
0x6: {  	[smem:$0x3FC6] =	sst s2  }
0x7: {  	_ = 	snop  }
0x8: {  	s2 =	sld [smem:$0x3FD0];
	(tm) =	ssettm $0x1  }
0x9: {  	s19 =	sld [smem:$0x3FFB];
	_ =	sdelay $0x3  }
0xa: {  	_ =	strace s19  }
0xb: {  	s3 =	sld [smem:$0x3FFC];
	_ =	sdelay $0x3  }
0xc: {  	_ =	strace s3  }
0xd: {  	s3 =	sld [smem:$0x3FFD];
	_ =	sdelay $0x3  }
0xe: {  	_ =	strace s3  }
0xf: {  	_ =	strace $0x8FFFFFFF  }
0x10: {  	s20 =	sld [smem:$0x3FDB];
	_ =	sdelay $0x1  }
0x11: {  	s4 =	simm.s32 $_scs_section_size  }
0x12: {  	s5 =	simm.s32 $_size__tile_overlayer_lowered;
	s6 =	simm.s32 $_tile_overlayer_lowered  }
0x13: {  	s23 =	simm.s32 $0x1BFF;
	s22 =	sshll.u32 s6, $0x1;
	s3 =	sadd.s32 s4, s20  }
0x14: {  	s7 =	simm.s32 $0x0;
	s21 =	sshll.u32 s5, $0x1;
	s5 =	sadd.s32 s22, s3  }
0x15: {  	[timem:s7], [sflag:s23] =	dma.local [hbm:s5], s21  }
0x16: {  	_ =	swait.ge [sflag:s23], s21  }
0x17: {  	s4 =	ssub.s32 $0x0, s21;
	[sflag:s23] =	ssyncset.done $0x0  }
0x18: {  	[sflag:s23] =	ssyncadd.s32 s4;
	_ =	sdelay $0x1  }
0x19: {  	s24 =	simm.s32 $0x1B8B  }
0x1a: {  	_ =	swait.ge [sflag:s24], $0x1  }
0x1b: {  	[sflag:s24] =	ssyncset.done $0x0  }
0x1c: {  	s26 =	simm.s32 $0x1B8E;
	s25 =	sld [smem:$0x3FFE];
	[sflag:s24] =	ssyncadd.s32 $0xFFFFFFFF  }
0x1d: {  	s27 =	simm.s32 $execute0_lowered;
	[smem:$0x3FD2] =	sst s26  }
0x1e: {  	s5 =	sshll.u32 s27, $0x1;
	_ =	strace $0x80000049;
	[dreg:$0x1] =	wrdreg $0xFFFFFFFF  }
0x1f: {  	s28 =	simm.s32 $_size_execute0_lowered;
	s3 =	sadd.s32 s3, s5;
	[dreg:$0x0] =	wrdreg $0x0  }
0x20: {  	s5 =	sshll.u32 s28, $0x1;
	[dreg:$0x2] =	wrdreg s3  }
0x21: {  	[dreg:$0x3] =	wrdreg s5  }
0x22: {  	[dreg:$0x4] =	wrdreg $0xC0  }
0x23: {  	_ =	task [dreg:s7], $0x5FFFF  }
0x24: {  	[dreg:$0x1] =	wrdreg $0xFFFFFFFF  }
0x25: {  	[dreg:$0x0] =	wrdreg $0x60  }
0x26: {  	[dreg:$0x2] =	wrdreg s25  }
0x27: {  	[dreg:$0x3] =	wrdreg s2  }
0x28: {  	[dreg:$0x4] =	wrdreg $0x9  }
0x29: {  	_ =	task.clear_ibuf [dreg:s7], $0x5FFFF;
	_ =	strace $0x90000049  }
0x2a: {  	s29 =	simm.s32 $0x9;
	_ =	strace $0x8000004B  }
0x2b: {  	_ =	swait.ge [sflag:s29], $0x1  }
0x2c: {  	[sflag:s29] =	ssyncadd.s32 $0xFFFFFFFF  }
0x2d: {  	_ =	strace $0x9000004B  }
0x2e: {  	_ =	sfence  }
0x2f: {  	s30 =	sld [smem:$0x0];
	_ =	sdelay $0x2  }
0x30: {  	s31 =	sshll.u32 s1, $0xD;
	s1 =	sshrl.u32 s1, $0x2  }
0x31: {  	s3 =	sand.u32 $0x4000, s31;
	s1 =	sadd.s32 s1, s30  }
0x32: {  	s0 =	sor.u32 s3, s0;
	s1 =	sshll.u32 s1, $0x11  }
0x33: {  	s0 =	sor.u32 s1, s0  }
0x34: {  	s0 =	sadd.s32 $0x8F2B, s0  }
0x35: {  	[sflag:s0] =	ssyncadd.remote.s32 $0x1  }
0x36: {  	_ =	sfence.sel $0xFFFF  }
0x37: {  	[dreg:$0x0] =	wrdreg $0xFFFFFFFF;
	(pc) =	sbr.abs _section_cstart, $3  }
0x38: {  	[dreg:$0x1] =	wrdreg $0xFFFFFFFF  }
0x39: {  	_ =	task.clear_ibuf [dreg:s7], $0x2FFFF;
	_ =	strace $0x9FFFFFFF  }
0x3a: {  	(tm) =	ssettm $0x7FFFFFFF  }
0x3b: {  	_ =	shalt  }
tec
execute0_lowered:
.L_overlay_start_1:
0x0: {  	(tag) =	ssettag $0x1  }
0x1: {  	s0 =	srdreg.scid  }
0x2: {  	s1 =	sshll.u32 s0, $0x4  }
0x3: {  	s0 =	stileid.u32;
	s1 =	sand.u32 $0x10, s1  }
0x4: {  	s1 =	sor.u32 s0, s1  }
0x5: {  	s6 =	rddreg [dreg:$0x0];
	s4 =	simm.s32 $0x1;
	s2 =	sshll.u32 s1, $0x7  }
0x6: {  	s7 =	simm.s32 $0x2;
	s12 =	simm.s32 $0x0;
	s1 =	ssub.s32 $0x1000, s2  }
0x7: {  	s8 =	simm.s32 $0x8000;
	s13 =	simm.s32 $0x0;
	s3 =	sand.u32 $0xF80, s1  }
0x8: {  	s9 =	simm.s32 $0x0;
	s5 =	sshrl.u32 s1, $0xC;
	p0 =	sne.s32 s3, $0x0  }
.Ltmp0:
0x9: {  	s1 =	rddreg [dreg:$0x2];
	s4 =	simm.s32 @!p0 $0x0;
	(pc) =	sbr.rel .LBB1_1-.Ltmp0, $4  }
0xa: {  	s11 =	simm.s32 $0x0;
	s3 =	rddreg [dreg:$0x1];
	s5 =	sadd.s32 s4, s5  }
0xb: {  	_ =	strace $0x8000004A;
	s4 =	simm.s32 $0x1;
	s5 =	smul.u32 $0xC8, s5  }
0xc: {  	s6 =	sadd.s32 $0xC00, s6;
	s10 =	smov.u32 s2;
	[sflag:s4] =	ssyncpa.u1 $0x0  }
0xd: {  	p0 =	por $0x0, $0x0;
	[sflag:s7] =	ssyncpa.u1 $0x0;
	s7 =	sor.u32 $0x1, s5  }
.LBB1_4:
0xe: {  	s16 =	sshll.u32 s13, $0x3;
	s17 =	sand.u32 $0x78, s13  }
0xf: {  	s30 =	sand.u32 $0x7E00, s13;
	s12 =	sshll.u32 s12, $0xF;
	s16 =	sand.u32 $0xC00, s16  }
0x10: {  	[tilespmem:s15+$0x810 ss:$0x81] =	vst.msk $0xffff, v2;
	s31 =	sand.u32 $0x7, s13;
	s16 =	sor.u32 s17, s16;
	s17 =	sadd.s32 s3, s30  }
0x11: {  	[tilespmem:s15+$0x1020 ss:$0x81] =	vst.msk $0xffff, v0;
	s13 =	sshll.u32 s31, $0x12;
	s12 =	sadd.s32 s12, s17;
	s16 =	sshrl.u32 s16, $0x3  }
0x12: {  	[tilespmem:s15+$0x0 ss:$0x81] =	vst.msk $0xffff, v1;
	s13 =	sor.u32 $0x400, s13;
	s12 =	sadd.s32 s16, s12  }
0x13: {  	[hbm4b:s12+s13] =	stream.strided.scatter [tilespmem:s14], [sflag:$0x2], $0x2000, s8, s13, $0x20;
	[tilespmem:$0x8080] =	vst v63  }
.LBB1_5:
0x14: {  	s14 =	sadd.s32 $0x1, s9  }
0x15: {  	s12 =	sadd.s32 $0x1000, s10;
	s16 =	smov.u32 s10;
	p2 =	sgt.s32 s14, $0xC7  }
0x16: {  	s16 =	smov.u32 @p2 s12  }
0x17: {  	s14 =	simm.s32 @p2 $0x0;
	p2 =	sgt.s32 s16, $0xFFF  }
0x18: {  	s16 =	smov.u32 @p2 s2;
	p2 =	sne.s32 s11, s7  }
.Ltmp1:
0x19: {  	p1 =	slt.u32 s11, $0x2;
	(pc) =	sbr.rel @!p2 .LBB1_6-.Ltmp1, $4  }
0x1a: {  	s15 =	simm.s32 @!p1 $0x2  }
0x1b: {  	s13 =	smov.u32 s10;
	p0 =	por !p0, !p0;
	_ =	swait.ge @!p1 [sflag:s15], $0x2000  }
0x1c: {  	s12 =	smov.u32 s9;
	[sflag:s15] =	ssyncset.done @!p1 $0x0;
	s9 =	smov.u32 s14  }
0x1d: {  	s11 =	sadd.s32 $0x1, s11;
	[sflag:s15] =	ssyncadd.s32 @!p1 $0xFFFFE000;
	s10 =	smov.u32 s16  }
.LBB1_1:
0x1e: {  	p1 =	sge.u32 s11, s5  }
0x1f: {  	s14 =	sand.u32 @!p1 $0x1FFFFFF, s9  }
0x20: {  	s15 =	smulhi.u32 @!p1 $0x147AE15, s14;
	_ =	sdelay $0x1  }
0x21: {  	s15 =	smul.u32 @!p1 $0xC8, s15  }
0x22: {  	s16 =	sxor.u32 @!p1 $0xFFFFFFFF, s11;
	s17 =	smul.u32 @!p1 $0xC80, s10  }
0x23: {  	s31 =	sadd.s32 $0xFFFFFFFF, s11;
	s16 =	sshll.u32 @!p1 s16, $0xD;
	s14 =	ssub.s32 @!p1 s14, s15  }
0x24: {  	s15 =	sand.u32 @!p1 $0x2000, s16;
	s16 =	sadd.s32 @!p1 s6, s17;
	s14 =	sshll.u32 @!p1 s14, $0x4  }
0x25: {  	s17 =	simm.s32 @!p1 $0x6400;
	s14 =	sadd.s32 @!p1 s14, s16;
	s16 =	simm.s32 @!p1 $0x40  }
0x26: {  	[tilespmem:s15], [sflag:$0x1] =	stream.strided.gather @!p1 [hbm4b:s14+s16], $0x2000, s17, s16, $0x38;
	[tilespmem:$0x8080] =	vst v63  }
0x27: {  	p1 =	sge.u32 s31, s5  }
.Ltmp2:
0x28: {  	_ = 	snop;
	(pc) =	sbr.rel @p1 .LBB1_5-.Ltmp2, $1  }
0x29: {  	_ =	sdelay $0x3  }
0x2a: {  	s14 =	simm.s32 $0x1  }
0x2b: {  	_ =	swait.ge [sflag:s4], $0x2000;
	s14 =	simm.s32 @!p0 $0x0  }
0x2c: {  	[sflag:s4] =	ssyncset.done $0x0;
	s15 =	sshll.u32 s14, $0xD  }
0x2d: {  	[sflag:s4] =	ssyncadd.s32 $0xFFFFE000;
	s18 =	sor.u32 $0x20, s15  }
0x2e: {  	s14 =	smul.u32 $0x8100, s14;
	v3 =	vld [tilespmem:s18+$0x10]  }
0x2f: {  	s30 =	sand.u32 $0x1, s11;
	v2 =	vld [tilespmem:s18+$0xFFFFFFF0]  }
0x30: {  	s15 =	smul.u32 $0x8100, s30;
	s14 =	sshrl.u32 s14, $0x2;
	v0 =	vld [tilespmem:s18+$0x0]  }
0x31: {  	v1 =	vld [tilespmem:s18+$0xFFFFFFE0];
	s16 =	sor.u32 $0x4000, s14  }
0x32: {  	s31 =	sshrl.u32 s15, $0x2;
	s15 =	sadd.s32 $0x0, s16  }
0x33: {  	s17 =	simm.s32 $0x4;
	s18 =	sadd.s32 $0x40, s18;
	s14 =	sor.u32 $0x4000, s31;
	[tilespmem:s15+$0x1830 ss:$0x81] =	vst.msk $0xffff, v3  }
.LBB1_3:
0x34: {  	v3 =	vld [tilespmem:s18+$0x10];
	p1 =	sne.s32 s17, $0x1FC;
	[tilespmem:s15+$0x810 ss:$0x81] =	vst.msk $0xffff, v2;
	s19 =	smov.u32 s17;
	s17 =	sadd.s32 $0x4, s17  }
.Ltmp3:
0x35: {  	v2 =	vld [tilespmem:s18+$0xFFFFFFF0];
	[tilespmem:s15+$0x1020 ss:$0x81] =	vst.msk $0xffff, v0;
	(pc) =	sbr.rel @p1 .LBB1_3-.Ltmp3, $4  }
0x36: {  	v0 =	vld [tilespmem:s18+$0x0];
	[tilespmem:s15+$0x0 ss:$0x81] =	vst.msk $0xffff, v1  }
0x37: {  	s15 =	sshra.s32 s19, $0x2;
	v1 =	vld [tilespmem:s18+$0xFFFFFFE0]  }
0x38: {  	s15 =	sadd.s32 s15, s16  }
0x39: {  	s18 =	sadd.s32 $0x40, s18;
	[tilespmem:s15+$0x1830 ss:$0x81] =	vst.msk $0xffff, v3  }
.Ltmp4:
0x3a: {  	_ = 	snop;
	(pc) =	sbr.rel .LBB1_4-.Ltmp4, $1  }
0x3b: {  	_ =	sdelay $0x3  }
.LBB1_6:
0x3c: {  	_ =	sfence.sel $0x180000  }
0x3d: {  	s2 =	simm.s32 $0x1;
	[bflag:$0x0] =	sbarrier.arrive $0xFFFF  }
0x3e: {  	s31 =	simm.s32 $0x2;
	[sflag:s2] =	ssyncpa.u1 $0x1  }
0x3f: {  	[sflag:s31] =	ssyncpa.u1 $0x1  }
0x40: {  	p0 =	sne.s32 s0, $0x0;
	_ =	strace $0x9000004A  }
0x41: {  	s0 =	sadd.s32 @!p0 $0x100000, s1;
	[bflag:$0x2] =	sbarrier.arrive $0xFFFF  }
0x42: {  	[sflag:s0] =	ssyncadd.tile.s32 @!p0 $0x1;
	_ =	shalt  }
.Lfunc_end1:
_tile_overlayer_lowered:
.L_overlay_start_2:
0x43: {  	(tag) =	ssettag $0x2  }
0x44: {  	s0 =	rddreg [dreg:$0x0];
	s2 =	stileid.u32  }
0x45: {  	s1 =	rddreg [dreg:$0x1];
	p0 =	sne.s32 s2, $0x0  }
0x46: {  	s3 =	rddreg [dreg:$0x2];
	[bflag:$0x3] =	sbarrier.arrive $0xFFFF;
	s2 =	simm.s32 @!p0 $0x1C01  }
0x47: {  	[timem:s3], [sflag:s2] =	dma.local @!p0 [hbm:s0], s1  }
0x48: {  	s0 =	simm.s32 @!p0 $0x1  }
0x49: {  	_ =	swait.ge @!p0 [sflag:s0], s1  }
0x4a: {  	s1 =	ssub.s32 @!p0 $0x0, s1;
	[sflag:s0] =	ssyncset.done @!p0 $0x0  }
0x4b: {  	[sflag:s0] =	ssyncadd.s32 @!p0 s1  }
0x4c: {  	[bflag:$0x3] =	sbarrier.arrive $0xFFFF  }
0x4d: {  	_ =	shalt  }

</sc_bundles>
